<compile_context>
chip_gen: v7x
topology: tpu7x:2x2x1
jax: 0.10.2.dev20260603
libtpu: 0.0.44.dev20260713+nightly
codegen_flags: <defaults>
</compile_context>

<pallas_src>
import jax
import jax.numpy as jnp
from jax import lax
from jax.experimental import pallas as pl
from jax.experimental.pallas import tpu as pltpu
from jax.experimental.pallas import tpu_sc as plsc

_VOCAB = 1000000
_EMBED = 64
_BATCH = 4096
_SEQ = 200
_HALF = _EMBED // 2

_NC = 2
_NS = 16
_NW = _NC * _NS

_BPW = _BATCH // _NW
_RPC = 2
_SPLITS = ((0, 104), (104, 96))
_NBUF = 4
_ROWS_PER_IT = _RPC * _NBUF
_KMAX = _BPW // _ROWS_PER_IT


def _sc_body(x, sincos, table, out,
             idx_v, sc_v,
             r0, r1, r2, r3,
             si0, si1, si2, si3,
             so0, so1, so2, so3):
    rows = [r0, r1, r2, r3]
    sin_ = [si0, si1, si2, si3]
    sout = [so0, so1, so2, so3]
    wid = lax.axis_index("s") * _NC + lax.axis_index("c")

    pltpu.sync_copy(sincos, sc_v)

    def block(k, carry):
        brow0 = wid * _BPW + _ROWS_PER_IT * k
        pltpu.sync_copy(x.at[pl.ds(brow0, _ROWS_PER_IT)], idx_v)

        hin = []
        for b in range(_NBUF):
            for s in range(_RPC):
                for (off, width) in _SPLITS:
                    hin.append(pltpu.async_copy(
                        table.at[idx_v.at[_RPC * b + s, pl.ds(off, width)]],
                        rows[b].at[s, pl.ds(off, width)],
                        sin_[b],
                    ))

        npc = _RPC * len(_SPLITS)
        hout = []
        for b in range(_NBUF):
            for h in hin[npc * b:npc * (b + 1)]:
                h.wait()

            rb = rows[b]

            @plsc.parallel_loop(0, _SEQ, unroll=2)
            def _(t):
                c0 = sc_v[t, 0:16]
                c1 = sc_v[t, 16:32]
                s0 = sc_v[t, 32:48]
                s1 = sc_v[t, 48:64]
                for s in range(_RPC):
                    e0 = rb[s, t, 0:16]
                    e1 = rb[s, t, 16:32]
                    o0 = rb[s, t, 32:48]
                    o1 = rb[s, t, 48:64]
                    rb[s, t, 0:16] = e0 * c0 - o0 * s0
                    rb[s, t, 16:32] = e1 * c1 - o1 * s1
                    rb[s, t, 32:48] = e0 * s0 + o0 * c0
                    rb[s, t, 48:64] = e1 * s1 + o1 * c1

            hout.append(pltpu.async_copy(
                rb, out.at[pl.ds(brow0 + _RPC * b, _RPC)], sout[b]))
        for h in hout:
            h.wait()
        return carry

    lax.fori_loop(0, _KMAX, block, 0)


@jax.jit
def _sc_call(x, sincos, table):
    mesh = plsc.VectorSubcoreMesh(core_axis_name="c", subcore_axis_name="s")
    f = pl.kernel(
        _sc_body,
        mesh=mesh,
        compiler_params=pltpu.CompilerParams(use_tc_tiling_on_sc=False),
        out_type=jax.ShapeDtypeStruct((_BATCH, _SEQ, _EMBED), jnp.float32),
        scratch_types=[
            pltpu.VMEM((_ROWS_PER_IT, _SEQ), jnp.int32),
            pltpu.VMEM((_SEQ, _EMBED), jnp.float32),
        ] + [pltpu.VMEM((_RPC, _SEQ, _EMBED), jnp.float32)] * _NBUF
          + [pltpu.SemaphoreType.DMA] * (2 * _NBUF),
    )
    return f(x, sincos, table)


def kernel(x, table):
    if x.ndim == 1:
        x = x[None, :]
    x = x.astype(jnp.int32)
    freqs = 1.0 / (10000.0 ** (jnp.arange(_HALF, dtype=jnp.float32) / _EMBED))
    ang = jnp.arange(_SEQ, dtype=jnp.float32)[:, None] * freqs[None, :]
    sincos = jnp.concatenate([jnp.cos(ang), jnp.sin(ang)], axis=-1)
    return _sc_call(x, sincos, table)

# --- scband reference (transcript-rebuilt; emitter-appended) ---
"""Pipeline reference for scband-model-69423851372974 (READ-ONLY COPY).

The authoritative reference and input builder live on the scoring server;
editing this copy changes nothing except your own understanding.
"""

import jax, jax.numpy as jnp
import numpy as np

VOCAB = 1000000
EMBED_DIM = 64
BATCH = 4096
SEQ = 200

def setup_inputs(seed: int = 0) -> dict:
    key = jax.random.key(seed)
    k1, k2 = jax.random.split(key)
    x = jax.random.randint(k1, (BATCH, SEQ), 0, VOCAB, dtype=jnp.int64 if jax.config.jax_enable_x64 else jnp.int32)
    table = jax.random.normal(k2, (VOCAB, EMBED_DIM), dtype=jnp.float32)
    return {"x": x, "table": table}

def _rope(inp, base=10000):
    batch_size, context_length, dimension = inp.shape
    half_dim = dimension // 2
    freqs = 1.0 / (base ** (jnp.arange(0, half_dim, dtype=jnp.float32) / dimension))
    positions = jnp.arange(0, context_length, dtype=jnp.float32)
    angles = positions[:, None] * freqs[None, :]
    sin = jnp.sin(angles)[None, :, :]
    cos = jnp.cos(angles)[None, :, :]
    x_even = inp[:, :, :half_dim]
    x_odd = inp[:, :, half_dim:]
    x_rot_even = x_even * cos - x_odd * sin
    x_rot_odd = x_even * sin + x_odd * cos
    return jnp.concatenate([x_rot_even, x_rot_odd], axis=-1)

def reference(x, table):
    if x.ndim == 1:
        x = x[None, :]
    emb = jnp.take(table, x, axis=0)
    return _rope(emb)

if __name__ == "__main__":
    import jax
    _d = setup_inputs()
    print(jax.jit(kernel)(*tuple(_d.values())))

</pallas_src>

<mosaic_0001>
#map = affine_map<(d0, d1) -> (0, 0)>
#map1 = affine_map<(d0, d1) -> (0, 0, 0)>
module attributes {stable_mosaic.version = 14 : i64} {
  func.func @_sc_body(%arg0: i32, %arg1: i32, %arg2: memref<4096x200xi32, #tpu.memory_space<hbm>>, %arg3: memref<200x64xf32, #tpu.memory_space<hbm>>, %arg4: memref<1000000x64xf32, #tpu.memory_space<hbm>>, %arg5: memref<4096x200x64xf32, #tpu.memory_space<hbm>>, %arg6: memref<8x200xi32, #tpu.memory_space<vmem>>, %arg7: memref<200x64xf32, #tpu.memory_space<vmem>>, %arg8: memref<2x200x64xf32, #tpu.memory_space<vmem>>, %arg9: memref<2x200x64xf32, #tpu.memory_space<vmem>>, %arg10: memref<2x200x64xf32, #tpu.memory_space<vmem>>, %arg11: memref<2x200x64xf32, #tpu.memory_space<vmem>>, %arg12: memref<!tpu.dma_semaphore, #tpu.memory_space<semaphore_mem>>, %arg13: memref<!tpu.dma_semaphore, #tpu.memory_space<semaphore_mem>>, %arg14: memref<!tpu.dma_semaphore, #tpu.memory_space<semaphore_mem>>, %arg15: memref<!tpu.dma_semaphore, #tpu.memory_space<semaphore_mem>>, %arg16: memref<!tpu.dma_semaphore, #tpu.memory_space<semaphore_mem>>, %arg17: memref<!tpu.dma_semaphore, #tpu.memory_space<semaphore_mem>>, %arg18: memref<!tpu.dma_semaphore, #tpu.memory_space<semaphore_mem>>, %arg19: memref<!tpu.dma_semaphore, #tpu.memory_space<semaphore_mem>>) attributes {dimension_semantics = [#tpu.dimension_semantics<core_parallel>, #tpu.dimension_semantics<subcore_parallel>], iteration_bounds = array<i64: 2, 16>, scalar_prefetch = 0 : i64, scratch_operands = 14 : i64, tpu.core_type = #tpu.core_type<sc_vector_subcore>, window_params = [{transform_indices = #map}, {transform_indices = #map}, {transform_indices = #map}, {transform_indices = #map1}]} {
    %mul3A = arith.constant 2 : i32
    %mul3A_0 = arith.muli %arg1, %mul3A : i32
    %add3A = arith.addi %mul3A_0, %arg0 : i32
    "tpu.region"() ({
      %run_scoped3A = tpu.sem_alloc : memref<!tpu.dma_semaphore, #tpu.memory_space<semaphore_mem>>
      tpu.enqueue_dma source(%arg3 : memref<200x64xf32, #tpu.memory_space<hbm>>) target(%arg7 : memref<200x64xf32, #tpu.memory_space<vmem>>) target_semaphore(%run_scoped3A : memref<!tpu.dma_semaphore, #tpu.memory_space<semaphore_mem>>)
      tpu.wait_dma2 semaphore(%run_scoped3A : memref<!tpu.dma_semaphore, #tpu.memory_space<semaphore_mem>>) src(%arg3 : memref<200x64xf32, #tpu.memory_space<hbm>>) dst(%arg7 : memref<200x64xf32, #tpu.memory_space<vmem>>)
      tpu.yield
    }) : () -> ()
    %scan3A = arith.constant 0 : i32
    %scan3A_1 = arith.constant 0 : i32
    %scan3A_2 = arith.constant 16 : i32
    %scan3A_3 = arith.addi %scan3A_1, %scan3A_2 : i32
    %scan3A_4 = arith.constant 1 : i32
    scf.for %scan3A_6 = %scan3A_1 to %scan3A_3 step %scan3A_4  : i32 {
      %mul3A_7 = arith.constant 128 : i32
      %mul3A_8 = arith.muli %add3A, %mul3A_7 : i32
      %mul3A_9 = arith.constant 8 : i32
      %mul3A_10 = arith.muli %mul3A_9, %scan3A_6 : i32
      %add3A_11 = arith.addi %mul3A_8, %mul3A_10 : i32
      "tpu.region"() ({
        %run_scoped3A = tpu.sem_alloc : memref<!tpu.dma_semaphore, #tpu.memory_space<semaphore_mem>>
        %dma_start3A_461 = arith.constant 0 : i32
        %dma_start3A_462 = tpu.memref_slice %arg2[%add3A_11, %dma_start3A_461] : memref<4096x200xi32, #tpu.memory_space<hbm>> -> memref<8x200xi32, #tpu.memory_space<hbm>>
        %dma_start3A_463 = arith.constant 0 : i32
        %dma_start3A_464 = tpu.memref_slice %arg2[%add3A_11, %dma_start3A_463] : memref<4096x200xi32, #tpu.memory_space<hbm>> -> memref<8x200xi32, #tpu.memory_space<hbm>>
        tpu.enqueue_dma source(%dma_start3A_464 : memref<8x200xi32, #tpu.memory_space<hbm>>) target(%arg6 : memref<8x200xi32, #tpu.memory_space<vmem>>) target_semaphore(%run_scoped3A : memref<!tpu.dma_semaphore, #tpu.memory_space<semaphore_mem>>)
        %dma_wait3A_465 = arith.constant 0 : i32
        %dma_wait3A_466 = tpu.memref_slice %arg2[%add3A_11, %dma_wait3A_465] : memref<4096x200xi32, #tpu.memory_space<hbm>> -> memref<8x200xi32, #tpu.memory_space<hbm>>
        %dma_wait3A_467 = arith.constant 0 : i32
        %dma_wait3A_468 = tpu.memref_slice %arg2[%add3A_11, %dma_wait3A_467] : memref<4096x200xi32, #tpu.memory_space<hbm>> -> memref<8x200xi32, #tpu.memory_space<hbm>>
        tpu.wait_dma2 semaphore(%run_scoped3A : memref<!tpu.dma_semaphore, #tpu.memory_space<semaphore_mem>>) src(%dma_wait3A_468 : memref<8x200xi32, #tpu.memory_space<hbm>>) dst(%arg6 : memref<8x200xi32, #tpu.memory_space<vmem>>)
        tpu.yield
      }) : () -> ()
      %dma_start3A = arith.constant 0 : i32
      %dma_start3A_12 = arith.constant 0 : i32
      %dma_start3A_13 = arith.constant 0 : i32
      %dma_start3A_14 = arith.constant 0 : i32
      %dma_start3A_15 = tpu.memref_slice %arg8[%dma_start3A_12, %dma_start3A_13, %dma_start3A_14] : memref<2x200x64xf32, #tpu.memory_space<vmem>> -> memref<1x104x64xf32, #tpu.memory_space<vmem>>
      %dma_start3A_16 = tpu.memref_squeeze %dma_start3A_15 : memref<1x104x64xf32, #tpu.memory_space<vmem>> -> memref<104x64xf32, #tpu.memory_space<vmem>>
      %dma_start3A_17 = arith.constant 0 : i32
      %dma_start3A_18 = tpu.memref_slice %arg6[%dma_start3A, %dma_start3A_17] : memref<8x200xi32, #tpu.memory_space<vmem>> -> memref<1x104xi32, #tpu.memory_space<vmem>>
      %dma_start3A_19 = tpu.memref_squeeze %dma_start3A_18 : memref<1x104xi32, #tpu.memory_space<vmem>> -> memref<104xi32, #tpu.memory_space<vmem>>
      %dma_start3A_20 = arith.constant 0 : i32
      %dma_start3A_21 = arith.constant 0 : i32
      %dma_start3A_22 = tpu.memref_slice %arg4[%dma_start3A_20, %dma_start3A_21] : memref<1000000x64xf32, #tpu.memory_space<hbm>> -> memref<1000000x64xf32, #tpu.memory_space<hbm>>
      tpu.enqueue_indirect_dma source(%dma_start3A_22 : memref<1000000x64xf32, #tpu.memory_space<hbm>>) target(%dma_start3A_16 : memref<104x64xf32, #tpu.memory_space<vmem>>) offsets(%dma_start3A_19 : memref<104xi32, #tpu.memory_space<vmem>>) semaphore(%arg12 : memref<!tpu.dma_semaphore, #tpu.memory_space<semaphore_mem>>)
      %dma_start3A_23 = arith.constant 0 : i32
      %dma_start3A_24 = arith.constant 0 : i32
      %dma_start3A_25 = arith.constant 104 : i32
      %dma_start3A_26 = arith.constant 0 : i32
      %dma_start3A_27 = tpu.memref_slice %arg8[%dma_start3A_24, %dma_start3A_25, %dma_start3A_26] : memref<2x200x64xf32, #tpu.memory_space<vmem>> -> memref<1x96x64xf32, #tpu.memory_space<vmem>>
      %dma_start3A_28 = tpu.memref_squeeze %dma_start3A_27 : memref<1x96x64xf32, #tpu.memory_space<vmem>> -> memref<96x64xf32, #tpu.memory_space<vmem>>
      %dma_start3A_29 = arith.constant 104 : i32
      %dma_start3A_30 = tpu.memref_slice %arg6[%dma_start3A_23, %dma_start3A_29] : memref<8x200xi32, #tpu.memory_space<vmem>> -> memref<1x96xi32, #tpu.memory_space<vmem>>
      %dma_start3A_31 = tpu.memref_squeeze %dma_start3A_30 : memref<1x96xi32, #tpu.memory_space<vmem>> -> memref<96xi32, #tpu.memory_space<vmem>>
      %dma_start3A_32 = arith.constant 0 : i32
      %dma_start3A_33 = arith.constant 0 : i32
      %dma_start3A_34 = tpu.memref_slice %arg4[%dma_start3A_32, %dma_start3A_33] : memref<1000000x64xf32, #tpu.memory_space<hbm>> -> memref<1000000x64xf32, #tpu.memory_space<hbm>>
      tpu.enqueue_indirect_dma source(%dma_start3A_34 : memref<1000000x64xf32, #tpu.memory_space<hbm>>) target(%dma_start3A_28 : memref<96x64xf32, #tpu.memory_space<vmem>>) offsets(%dma_start3A_31 : memref<96xi32, #tpu.memory_space<vmem>>) semaphore(%arg12 : memref<!tpu.dma_semaphore, #tpu.memory_space<semaphore_mem>>)
      %dma_start3A_35 = arith.constant 1 : i32
      %dma_start3A_36 = arith.constant 1 : i32
      %dma_start3A_37 = arith.constant 0 : i32
      %dma_start3A_38 = arith.constant 0 : i32
      %dma_start3A_39 = tpu.memref_slice %arg8[%dma_start3A_36, %dma_start3A_37, %dma_start3A_38] : memref<2x200x64xf32, #tpu.memory_space<vmem>> -> memref<1x104x64xf32, #tpu.memory_space<vmem>>
      %dma_start3A_40 = tpu.memref_squeeze %dma_start3A_39 : memref<1x104x64xf32, #tpu.memory_space<vmem>> -> memref<104x64xf32, #tpu.memory_space<vmem>>
      %dma_start3A_41 = arith.constant 0 : i32
      %dma_start3A_42 = tpu.memref_slice %arg6[%dma_start3A_35, %dma_start3A_41] : memref<8x200xi32, #tpu.memory_space<vmem>> -> memref<1x104xi32, #tpu.memory_space<vmem>>
      %dma_start3A_43 = tpu.memref_squeeze %dma_start3A_42 : memref<1x104xi32, #tpu.memory_space<vmem>> -> memref<104xi32, #tpu.memory_space<vmem>>
      %dma_start3A_44 = arith.constant 0 : i32
      %dma_start3A_45 = arith.constant 0 : i32
      %dma_start3A_46 = tpu.memref_slice %arg4[%dma_start3A_44, %dma_start3A_45] : memref<1000000x64xf32, #tpu.memory_space<hbm>> -> memref<1000000x64xf32, #tpu.memory_space<hbm>>
      tpu.enqueue_indirect_dma source(%dma_start3A_46 : memref<1000000x64xf32, #tpu.memory_space<hbm>>) target(%dma_start3A_40 : memref<104x64xf32, #tpu.memory_space<vmem>>) offsets(%dma_start3A_43 : memref<104xi32, #tpu.memory_space<vmem>>) semaphore(%arg12 : memref<!tpu.dma_semaphore, #tpu.memory_space<semaphore_mem>>)
      %dma_start3A_47 = arith.constant 1 : i32
      %dma_start3A_48 = arith.constant 1 : i32
      %dma_start3A_49 = arith.constant 104 : i32
      %dma_start3A_50 = arith.constant 0 : i32
      %dma_start3A_51 = tpu.memref_slice %arg8[%dma_start3A_48, %dma_start3A_49, %dma_start3A_50] : memref<2x200x64xf32, #tpu.memory_space<vmem>> -> memref<1x96x64xf32, #tpu.memory_space<vmem>>
      %dma_start3A_52 = tpu.memref_squeeze %dma_start3A_51 : memref<1x96x64xf32, #tpu.memory_space<vmem>> -> memref<96x64xf32, #tpu.memory_space<vmem>>
      %dma_start3A_53 = arith.constant 104 : i32
      %dma_start3A_54 = tpu.memref_slice %arg6[%dma_start3A_47, %dma_start3A_53] : memref<8x200xi32, #tpu.memory_space<vmem>> -> memref<1x96xi32, #tpu.memory_space<vmem>>
      %dma_start3A_55 = tpu.memref_squeeze %dma_start3A_54 : memref<1x96xi32, #tpu.memory_space<vmem>> -> memref<96xi32, #tpu.memory_space<vmem>>
      %dma_start3A_56 = arith.constant 0 : i32
      %dma_start3A_57 = arith.constant 0 : i32
      %dma_start3A_58 = tpu.memref_slice %arg4[%dma_start3A_56, %dma_start3A_57] : memref<1000000x64xf32, #tpu.memory_space<hbm>> -> memref<1000000x64xf32, #tpu.memory_space<hbm>>
      tpu.enqueue_indirect_dma source(%dma_start3A_58 : memref<1000000x64xf32, #tpu.memory_space<hbm>>) target(%dma_start3A_52 : memref<96x64xf32, #tpu.memory_space<vmem>>) offsets(%dma_start3A_55 : memref<96xi32, #tpu.memory_space<vmem>>) semaphore(%arg12 : memref<!tpu.dma_semaphore, #tpu.memory_space<semaphore_mem>>)
      %dma_start3A_59 = arith.constant 2 : i32
      %dma_start3A_60 = arith.constant 0 : i32
      %dma_start3A_61 = arith.constant 0 : i32
      %dma_start3A_62 = arith.constant 0 : i32
      %dma_start3A_63 = tpu.memref_slice %arg9[%dma_start3A_60, %dma_start3A_61, %dma_start3A_62] : memref<2x200x64xf32, #tpu.memory_space<vmem>> -> memref<1x104x64xf32, #tpu.memory_space<vmem>>
      %dma_start3A_64 = tpu.memref_squeeze %dma_start3A_63 : memref<1x104x64xf32, #tpu.memory_space<vmem>> -> memref<104x64xf32, #tpu.memory_space<vmem>>
      %dma_start3A_65 = arith.constant 0 : i32
      %dma_start3A_66 = tpu.memref_slice %arg6[%dma_start3A_59, %dma_start3A_65] : memref<8x200xi32, #tpu.memory_space<vmem>> -> memref<1x104xi32, #tpu.memory_space<vmem>>
      %dma_start3A_67 = tpu.memref_squeeze %dma_start3A_66 : memref<1x104xi32, #tpu.memory_space<vmem>> -> memref<104xi32, #tpu.memory_space<vmem>>
      %dma_start3A_68 = arith.constant 0 : i32
      %dma_start3A_69 = arith.constant 0 : i32
      %dma_start3A_70 = tpu.memref_slice %arg4[%dma_start3A_68, %dma_start3A_69] : memref<1000000x64xf32, #tpu.memory_space<hbm>> -> memref<1000000x64xf32, #tpu.memory_space<hbm>>
      tpu.enqueue_indirect_dma source(%dma_start3A_70 : memref<1000000x64xf32, #tpu.memory_space<hbm>>) target(%dma_start3A_64 : memref<104x64xf32, #tpu.memory_space<vmem>>) offsets(%dma_start3A_67 : memref<104xi32, #tpu.memory_space<vmem>>) semaphore(%arg13 : memref<!tpu.dma_semaphore, #tpu.memory_space<semaphore_mem>>)
      %dma_start3A_71 = arith.constant 2 : i32
      %dma_start3A_72 = arith.constant 0 : i32
      %dma_start3A_73 = arith.constant 104 : i32
      %dma_start3A_74 = arith.constant 0 : i32
      %dma_start3A_75 = tpu.memref_slice %arg9[%dma_start3A_72, %dma_start3A_73, %dma_start3A_74] : memref<2x200x64xf32, #tpu.memory_space<vmem>> -> memref<1x96x64xf32, #tpu.memory_space<vmem>>
      %dma_start3A_76 = tpu.memref_squeeze %dma_start3A_75 : memref<1x96x64xf32, #tpu.memory_space<vmem>> -> memref<96x64xf32, #tpu.memory_space<vmem>>
      %dma_start3A_77 = arith.constant 104 : i32
      %dma_start3A_78 = tpu.memref_slice %arg6[%dma_start3A_71, %dma_start3A_77] : memref<8x200xi32, #tpu.memory_space<vmem>> -> memref<1x96xi32, #tpu.memory_space<vmem>>
      %dma_start3A_79 = tpu.memref_squeeze %dma_start3A_78 : memref<1x96xi32, #tpu.memory_space<vmem>> -> memref<96xi32, #tpu.memory_space<vmem>>
      %dma_start3A_80 = arith.constant 0 : i32
      %dma_start3A_81 = arith.constant 0 : i32
      %dma_start3A_82 = tpu.memref_slice %arg4[%dma_start3A_80, %dma_start3A_81] : memref<1000000x64xf32, #tpu.memory_space<hbm>> -> memref<1000000x64xf32, #tpu.memory_space<hbm>>
      tpu.enqueue_indirect_dma source(%dma_start3A_82 : memref<1000000x64xf32, #tpu.memory_space<hbm>>) target(%dma_start3A_76 : memref<96x64xf32, #tpu.memory_space<vmem>>) offsets(%dma_start3A_79 : memref<96xi32, #tpu.memory_space<vmem>>) semaphore(%arg13 : memref<!tpu.dma_semaphore, #tpu.memory_space<semaphore_mem>>)
      %dma_start3A_83 = arith.constant 3 : i32
      %dma_start3A_84 = arith.constant 1 : i32
      %dma_start3A_85 = arith.constant 0 : i32
      %dma_start3A_86 = arith.constant 0 : i32
      %dma_start3A_87 = tpu.memref_slice %arg9[%dma_start3A_84, %dma_start3A_85, %dma_start3A_86] : memref<2x200x64xf32, #tpu.memory_space<vmem>> -> memref<1x104x64xf32, #tpu.memory_space<vmem>>
      %dma_start3A_88 = tpu.memref_squeeze %dma_start3A_87 : memref<1x104x64xf32, #tpu.memory_space<vmem>> -> memref<104x64xf32, #tpu.memory_space<vmem>>
      %dma_start3A_89 = arith.constant 0 : i32
      %dma_start3A_90 = tpu.memref_slice %arg6[%dma_start3A_83, %dma_start3A_89] : memref<8x200xi32, #tpu.memory_space<vmem>> -> memref<1x104xi32, #tpu.memory_space<vmem>>
      %dma_start3A_91 = tpu.memref_squeeze %dma_start3A_90 : memref<1x104xi32, #tpu.memory_space<vmem>> -> memref<104xi32, #tpu.memory_space<vmem>>
      %dma_start3A_92 = arith.constant 0 : i32
      %dma_start3A_93 = arith.constant 0 : i32
      %dma_start3A_94 = tpu.memref_slice %arg4[%dma_start3A_92, %dma_start3A_93] : memref<1000000x64xf32, #tpu.memory_space<hbm>> -> memref<1000000x64xf32, #tpu.memory_space<hbm>>
      tpu.enqueue_indirect_dma source(%dma_start3A_94 : memref<1000000x64xf32, #tpu.memory_space<hbm>>) target(%dma_start3A_88 : memref<104x64xf32, #tpu.memory_space<vmem>>) offsets(%dma_start3A_91 : memref<104xi32, #tpu.memory_space<vmem>>) semaphore(%arg13 : memref<!tpu.dma_semaphore, #tpu.memory_space<semaphore_mem>>)
      %dma_start3A_95 = arith.constant 3 : i32
      %dma_start3A_96 = arith.constant 1 : i32
      %dma_start3A_97 = arith.constant 104 : i32
      %dma_start3A_98 = arith.constant 0 : i32
      %dma_start3A_99 = tpu.memref_slice %arg9[%dma_start3A_96, %dma_start3A_97, %dma_start3A_98] : memref<2x200x64xf32, #tpu.memory_space<vmem>> -> memref<1x96x64xf32, #tpu.memory_space<vmem>>
      %dma_start3A_100 = tpu.memref_squeeze %dma_start3A_99 : memref<1x96x64xf32, #tpu.memory_space<vmem>> -> memref<96x64xf32, #tpu.memory_space<vmem>>
      %dma_start3A_101 = arith.constant 104 : i32
      %dma_start3A_102 = tpu.memref_slice %arg6[%dma_start3A_95, %dma_start3A_101] : memref<8x200xi32, #tpu.memory_space<vmem>> -> memref<1x96xi32, #tpu.memory_space<vmem>>
      %dma_start3A_103 = tpu.memref_squeeze %dma_start3A_102 : memref<1x96xi32, #tpu.memory_space<vmem>> -> memref<96xi32, #tpu.memory_space<vmem>>
      %dma_start3A_104 = arith.constant 0 : i32
      %dma_start3A_105 = arith.constant 0 : i32
      %dma_start3A_106 = tpu.memref_slice %arg4[%dma_start3A_104, %dma_start3A_105] : memref<1000000x64xf32, #tpu.memory_space<hbm>> -> memref<1000000x64xf32, #tpu.memory_space<hbm>>
      tpu.enqueue_indirect_dma source(%dma_start3A_106 : memref<1000000x64xf32, #tpu.memory_space<hbm>>) target(%dma_start3A_100 : memref<96x64xf32, #tpu.memory_space<vmem>>) offsets(%dma_start3A_103 : memref<96xi32, #tpu.memory_space<vmem>>) semaphore(%arg13 : memref<!tpu.dma_semaphore, #tpu.memory_space<semaphore_mem>>)
      %dma_start3A_107 = arith.constant 4 : i32
      %dma_start3A_108 = arith.constant 0 : i32
      %dma_start3A_109 = arith.constant 0 : i32
      %dma_start3A_110 = arith.constant 0 : i32
      %dma_start3A_111 = tpu.memref_slice %arg10[%dma_start3A_108, %dma_start3A_109, %dma_start3A_110] : memref<2x200x64xf32, #tpu.memory_space<vmem>> -> memref<1x104x64xf32, #tpu.memory_space<vmem>>
      %dma_start3A_112 = tpu.memref_squeeze %dma_start3A_111 : memref<1x104x64xf32, #tpu.memory_space<vmem>> -> memref<104x64xf32, #tpu.memory_space<vmem>>
      %dma_start3A_113 = arith.constant 0 : i32
      %dma_start3A_114 = tpu.memref_slice %arg6[%dma_start3A_107, %dma_start3A_113] : memref<8x200xi32, #tpu.memory_space<vmem>> -> memref<1x104xi32, #tpu.memory_space<vmem>>
      %dma_start3A_115 = tpu.memref_squeeze %dma_start3A_114 : memref<1x104xi32, #tpu.memory_space<vmem>> -> memref<104xi32, #tpu.memory_space<vmem>>
      %dma_start3A_116 = arith.constant 0 : i32
      %dma_start3A_117 = arith.constant 0 : i32
      %dma_start3A_118 = tpu.memref_slice %arg4[%dma_start3A_116, %dma_start3A_117] : memref<1000000x64xf32, #tpu.memory_space<hbm>> -> memref<1000000x64xf32, #tpu.memory_space<hbm>>
      tpu.enqueue_indirect_dma source(%dma_start3A_118 : memref<1000000x64xf32, #tpu.memory_space<hbm>>) target(%dma_start3A_112 : memref<104x64xf32, #tpu.memory_space<vmem>>) offsets(%dma_start3A_115 : memref<104xi32, #tpu.memory_space<vmem>>) semaphore(%arg14 : memref<!tpu.dma_semaphore, #tpu.memory_space<semaphore_mem>>)
      %dma_start3A_119 = arith.constant 4 : i32
      %dma_start3A_120 = arith.constant 0 : i32
      %dma_start3A_121 = arith.constant 104 : i32
      %dma_start3A_122 = arith.constant 0 : i32
      %dma_start3A_123 = tpu.memref_slice %arg10[%dma_start3A_120, %dma_start3A_121, %dma_start3A_122] : memref<2x200x64xf32, #tpu.memory_space<vmem>> -> memref<1x96x64xf32, #tpu.memory_space<vmem>>
      %dma_start3A_124 = tpu.memref_squeeze %dma_start3A_123 : memref<1x96x64xf32, #tpu.memory_space<vmem>> -> memref<96x64xf32, #tpu.memory_space<vmem>>
      %dma_start3A_125 = arith.constant 104 : i32
      %dma_start3A_126 = tpu.memref_slice %arg6[%dma_start3A_119, %dma_start3A_125] : memref<8x200xi32, #tpu.memory_space<vmem>> -> memref<1x96xi32, #tpu.memory_space<vmem>>
      %dma_start3A_127 = tpu.memref_squeeze %dma_start3A_126 : memref<1x96xi32, #tpu.memory_space<vmem>> -> memref<96xi32, #tpu.memory_space<vmem>>
      %dma_start3A_128 = arith.constant 0 : i32
      %dma_start3A_129 = arith.constant 0 : i32
      %dma_start3A_130 = tpu.memref_slice %arg4[%dma_start3A_128, %dma_start3A_129] : memref<1000000x64xf32, #tpu.memory_space<hbm>> -> memref<1000000x64xf32, #tpu.memory_space<hbm>>
      tpu.enqueue_indirect_dma source(%dma_start3A_130 : memref<1000000x64xf32, #tpu.memory_space<hbm>>) target(%dma_start3A_124 : memref<96x64xf32, #tpu.memory_space<vmem>>) offsets(%dma_start3A_127 : memref<96xi32, #tpu.memory_space<vmem>>) semaphore(%arg14 : memref<!tpu.dma_semaphore, #tpu.memory_space<semaphore_mem>>)
      %dma_start3A_131 = arith.constant 5 : i32
      %dma_start3A_132 = arith.constant 1 : i32
      %dma_start3A_133 = arith.constant 0 : i32
      %dma_start3A_134 = arith.constant 0 : i32
      %dma_start3A_135 = tpu.memref_slice %arg10[%dma_start3A_132, %dma_start3A_133, %dma_start3A_134] : memref<2x200x64xf32, #tpu.memory_space<vmem>> -> memref<1x104x64xf32, #tpu.memory_space<vmem>>
      %dma_start3A_136 = tpu.memref_squeeze %dma_start3A_135 : memref<1x104x64xf32, #tpu.memory_space<vmem>> -> memref<104x64xf32, #tpu.memory_space<vmem>>
      %dma_start3A_137 = arith.constant 0 : i32
      %dma_start3A_138 = tpu.memref_slice %arg6[%dma_start3A_131, %dma_start3A_137] : memref<8x200xi32, #tpu.memory_space<vmem>> -> memref<1x104xi32, #tpu.memory_space<vmem>>
      %dma_start3A_139 = tpu.memref_squeeze %dma_start3A_138 : memref<1x104xi32, #tpu.memory_space<vmem>> -> memref<104xi32, #tpu.memory_space<vmem>>
      %dma_start3A_140 = arith.constant 0 : i32
      %dma_start3A_141 = arith.constant 0 : i32
      %dma_start3A_142 = tpu.memref_slice %arg4[%dma_start3A_140, %dma_start3A_141] : memref<1000000x64xf32, #tpu.memory_space<hbm>> -> memref<1000000x64xf32, #tpu.memory_space<hbm>>
      tpu.enqueue_indirect_dma source(%dma_start3A_142 : memref<1000000x64xf32, #tpu.memory_space<hbm>>) target(%dma_start3A_136 : memref<104x64xf32, #tpu.memory_space<vmem>>) offsets(%dma_start3A_139 : memref<104xi32, #tpu.memory_space<vmem>>) semaphore(%arg14 : memref<!tpu.dma_semaphore, #tpu.memory_space<semaphore_mem>>)
      %dma_start3A_143 = arith.constant 5 : i32
      %dma_start3A_144 = arith.constant 1 : i32
      %dma_start3A_145 = arith.constant 104 : i32
      %dma_start3A_146 = arith.constant 0 : i32
      %dma_start3A_147 = tpu.memref_slice %arg10[%dma_start3A_144, %dma_start3A_145, %dma_start3A_146] : memref<2x200x64xf32, #tpu.memory_space<vmem>> -> memref<1x96x64xf32, #tpu.memory_space<vmem>>
      %dma_start3A_148 = tpu.memref_squeeze %dma_start3A_147 : memref<1x96x64xf32, #tpu.memory_space<vmem>> -> memref<96x64xf32, #tpu.memory_space<vmem>>
      %dma_start3A_149 = arith.constant 104 : i32
      %dma_start3A_150 = tpu.memref_slice %arg6[%dma_start3A_143, %dma_start3A_149] : memref<8x200xi32, #tpu.memory_space<vmem>> -> memref<1x96xi32, #tpu.memory_space<vmem>>
      %dma_start3A_151 = tpu.memref_squeeze %dma_start3A_150 : memref<1x96xi32, #tpu.memory_space<vmem>> -> memref<96xi32, #tpu.memory_space<vmem>>
      %dma_start3A_152 = arith.constant 0 : i32
      %dma_start3A_153 = arith.constant 0 : i32
      %dma_start3A_154 = tpu.memref_slice %arg4[%dma_start3A_152, %dma_start3A_153] : memref<1000000x64xf32, #tpu.memory_space<hbm>> -> memref<1000000x64xf32, #tpu.memory_space<hbm>>
      tpu.enqueue_indirect_dma source(%dma_start3A_154 : memref<1000000x64xf32, #tpu.memory_space<hbm>>) target(%dma_start3A_148 : memref<96x64xf32, #tpu.memory_space<vmem>>) offsets(%dma_start3A_151 : memref<96xi32, #tpu.memory_space<vmem>>) semaphore(%arg14 : memref<!tpu.dma_semaphore, #tpu.memory_space<semaphore_mem>>)
      %dma_start3A_155 = arith.constant 6 : i32
      %dma_start3A_156 = arith.constant 0 : i32
      %dma_start3A_157 = arith.constant 0 : i32
      %dma_start3A_158 = arith.constant 0 : i32
      %dma_start3A_159 = tpu.memref_slice %arg11[%dma_start3A_156, %dma_start3A_157, %dma_start3A_158] : memref<2x200x64xf32, #tpu.memory_space<vmem>> -> memref<1x104x64xf32, #tpu.memory_space<vmem>>
      %dma_start3A_160 = tpu.memref_squeeze %dma_start3A_159 : memref<1x104x64xf32, #tpu.memory_space<vmem>> -> memref<104x64xf32, #tpu.memory_space<vmem>>
      %dma_start3A_161 = arith.constant 0 : i32
      %dma_start3A_162 = tpu.memref_slice %arg6[%dma_start3A_155, %dma_start3A_161] : memref<8x200xi32, #tpu.memory_space<vmem>> -> memref<1x104xi32, #tpu.memory_space<vmem>>
      %dma_start3A_163 = tpu.memref_squeeze %dma_start3A_162 : memref<1x104xi32, #tpu.memory_space<vmem>> -> memref<104xi32, #tpu.memory_space<vmem>>
      %dma_start3A_164 = arith.constant 0 : i32
      %dma_start3A_165 = arith.constant 0 : i32
      %dma_start3A_166 = tpu.memref_slice %arg4[%dma_start3A_164, %dma_start3A_165] : memref<1000000x64xf32, #tpu.memory_space<hbm>> -> memref<1000000x64xf32, #tpu.memory_space<hbm>>
      tpu.enqueue_indirect_dma source(%dma_start3A_166 : memref<1000000x64xf32, #tpu.memory_space<hbm>>) target(%dma_start3A_160 : memref<104x64xf32, #tpu.memory_space<vmem>>) offsets(%dma_start3A_163 : memref<104xi32, #tpu.memory_space<vmem>>) semaphore(%arg15 : memref<!tpu.dma_semaphore, #tpu.memory_space<semaphore_mem>>)
      %dma_start3A_167 = arith.constant 6 : i32
      %dma_start3A_168 = arith.constant 0 : i32
      %dma_start3A_169 = arith.constant 104 : i32
      %dma_start3A_170 = arith.constant 0 : i32
      %dma_start3A_171 = tpu.memref_slice %arg11[%dma_start3A_168, %dma_start3A_169, %dma_start3A_170] : memref<2x200x64xf32, #tpu.memory_space<vmem>> -> memref<1x96x64xf32, #tpu.memory_space<vmem>>
      %dma_start3A_172 = tpu.memref_squeeze %dma_start3A_171 : memref<1x96x64xf32, #tpu.memory_space<vmem>> -> memref<96x64xf32, #tpu.memory_space<vmem>>
      %dma_start3A_173 = arith.constant 104 : i32
      %dma_start3A_174 = tpu.memref_slice %arg6[%dma_start3A_167, %dma_start3A_173] : memref<8x200xi32, #tpu.memory_space<vmem>> -> memref<1x96xi32, #tpu.memory_space<vmem>>
      %dma_start3A_175 = tpu.memref_squeeze %dma_start3A_174 : memref<1x96xi32, #tpu.memory_space<vmem>> -> memref<96xi32, #tpu.memory_space<vmem>>
      %dma_start3A_176 = arith.constant 0 : i32
      %dma_start3A_177 = arith.constant 0 : i32
      %dma_start3A_178 = tpu.memref_slice %arg4[%dma_start3A_176, %dma_start3A_177] : memref<1000000x64xf32, #tpu.memory_space<hbm>> -> memref<1000000x64xf32, #tpu.memory_space<hbm>>
      tpu.enqueue_indirect_dma source(%dma_start3A_178 : memref<1000000x64xf32, #tpu.memory_space<hbm>>) target(%dma_start3A_172 : memref<96x64xf32, #tpu.memory_space<vmem>>) offsets(%dma_start3A_175 : memref<96xi32, #tpu.memory_space<vmem>>) semaphore(%arg15 : memref<!tpu.dma_semaphore, #tpu.memory_space<semaphore_mem>>)
      %dma_start3A_179 = arith.constant 7 : i32
      %dma_start3A_180 = arith.constant 1 : i32
      %dma_start3A_181 = arith.constant 0 : i32
      %dma_start3A_182 = arith.constant 0 : i32
      %dma_start3A_183 = tpu.memref_slice %arg11[%dma_start3A_180, %dma_start3A_181, %dma_start3A_182] : memref<2x200x64xf32, #tpu.memory_space<vmem>> -> memref<1x104x64xf32, #tpu.memory_space<vmem>>
      %dma_start3A_184 = tpu.memref_squeeze %dma_start3A_183 : memref<1x104x64xf32, #tpu.memory_space<vmem>> -> memref<104x64xf32, #tpu.memory_space<vmem>>
      %dma_start3A_185 = arith.constant 0 : i32
      %dma_start3A_186 = tpu.memref_slice %arg6[%dma_start3A_179, %dma_start3A_185] : memref<8x200xi32, #tpu.memory_space<vmem>> -> memref<1x104xi32, #tpu.memory_space<vmem>>
      %dma_start3A_187 = tpu.memref_squeeze %dma_start3A_186 : memref<1x104xi32, #tpu.memory_space<vmem>> -> memref<104xi32, #tpu.memory_space<vmem>>
      %dma_start3A_188 = arith.constant 0 : i32
      %dma_start3A_189 = arith.constant 0 : i32
      %dma_start3A_190 = tpu.memref_slice %arg4[%dma_start3A_188, %dma_start3A_189] : memref<1000000x64xf32, #tpu.memory_space<hbm>> -> memref<1000000x64xf32, #tpu.memory_space<hbm>>
      tpu.enqueue_indirect_dma source(%dma_start3A_190 : memref<1000000x64xf32, #tpu.memory_space<hbm>>) target(%dma_start3A_184 : memref<104x64xf32, #tpu.memory_space<vmem>>) offsets(%dma_start3A_187 : memref<104xi32, #tpu.memory_space<vmem>>) semaphore(%arg15 : memref<!tpu.dma_semaphore, #tpu.memory_space<semaphore_mem>>)
      %dma_start3A_191 = arith.constant 7 : i32
      %dma_start3A_192 = arith.constant 1 : i32
      %dma_start3A_193 = arith.constant 104 : i32
      %dma_start3A_194 = arith.constant 0 : i32
      %dma_start3A_195 = tpu.memref_slice %arg11[%dma_start3A_192, %dma_start3A_193, %dma_start3A_194] : memref<2x200x64xf32, #tpu.memory_space<vmem>> -> memref<1x96x64xf32, #tpu.memory_space<vmem>>
      %dma_start3A_196 = tpu.memref_squeeze %dma_start3A_195 : memref<1x96x64xf32, #tpu.memory_space<vmem>> -> memref<96x64xf32, #tpu.memory_space<vmem>>
      %dma_start3A_197 = arith.constant 104 : i32
      %dma_start3A_198 = tpu.memref_slice %arg6[%dma_start3A_191, %dma_start3A_197] : memref<8x200xi32, #tpu.memory_space<vmem>> -> memref<1x96xi32, #tpu.memory_space<vmem>>
      %dma_start3A_199 = tpu.memref_squeeze %dma_start3A_198 : memref<1x96xi32, #tpu.memory_space<vmem>> -> memref<96xi32, #tpu.memory_space<vmem>>
      %dma_start3A_200 = arith.constant 0 : i32
      %dma_start3A_201 = arith.constant 0 : i32
      %dma_start3A_202 = tpu.memref_slice %arg4[%dma_start3A_200, %dma_start3A_201] : memref<1000000x64xf32, #tpu.memory_space<hbm>> -> memref<1000000x64xf32, #tpu.memory_space<hbm>>
      tpu.enqueue_indirect_dma source(%dma_start3A_202 : memref<1000000x64xf32, #tpu.memory_space<hbm>>) target(%dma_start3A_196 : memref<96x64xf32, #tpu.memory_space<vmem>>) offsets(%dma_start3A_199 : memref<96xi32, #tpu.memory_space<vmem>>) semaphore(%arg15 : memref<!tpu.dma_semaphore, #tpu.memory_space<semaphore_mem>>)
      %dma_wait3A = arith.constant 0 : i32
      %dma_wait3A_203 = arith.constant 0 : i32
      %dma_wait3A_204 = arith.constant 0 : i32
      %dma_wait3A_205 = arith.constant 0 : i32
      %dma_wait3A_206 = tpu.memref_slice %arg8[%dma_wait3A_203, %dma_wait3A_204, %dma_wait3A_205] : memref<2x200x64xf32, #tpu.memory_space<vmem>> -> memref<1x104x64xf32, #tpu.memory_space<vmem>>
      %dma_wait3A_207 = tpu.memref_squeeze %dma_wait3A_206 : memref<1x104x64xf32, #tpu.memory_space<vmem>> -> memref<104x64xf32, #tpu.memory_space<vmem>>
      %dma_wait3A_208 = arith.constant 0 : i32
      %dma_wait3A_209 = tpu.memref_slice %arg6[%dma_wait3A, %dma_wait3A_208] : memref<8x200xi32, #tpu.memory_space<vmem>> -> memref<1x104xi32, #tpu.memory_space<vmem>>
      %dma_wait3A_210 = tpu.memref_squeeze %dma_wait3A_209 : memref<1x104xi32, #tpu.memory_space<vmem>> -> memref<104xi32, #tpu.memory_space<vmem>>
      %dma_wait3A_211 = arith.constant 0 : i32
      %dma_wait3A_212 = arith.constant 0 : i32
      %dma_wait3A_213 = tpu.memref_slice %arg4[%dma_wait3A_211, %dma_wait3A_212] : memref<1000000x64xf32, #tpu.memory_space<hbm>> -> memref<1000000x64xf32, #tpu.memory_space<hbm>>
      tpu.wait_indirect_dma semaphore(%arg12 : memref<!tpu.dma_semaphore, #tpu.memory_space<semaphore_mem>>) src(%dma_wait3A_213 : memref<1000000x64xf32, #tpu.memory_space<hbm>>) dst(%dma_wait3A_207 : memref<104x64xf32, #tpu.memory_space<vmem>>)
      %dma_wait3A_214 = arith.constant 0 : i32
      %dma_wait3A_215 = arith.constant 0 : i32
      %dma_wait3A_216 = arith.constant 104 : i32
      %dma_wait3A_217 = arith.constant 0 : i32
      %dma_wait3A_218 = tpu.memref_slice %arg8[%dma_wait3A_215, %dma_wait3A_216, %dma_wait3A_217] : memref<2x200x64xf32, #tpu.memory_space<vmem>> -> memref<1x96x64xf32, #tpu.memory_space<vmem>>
      %dma_wait3A_219 = tpu.memref_squeeze %dma_wait3A_218 : memref<1x96x64xf32, #tpu.memory_space<vmem>> -> memref<96x64xf32, #tpu.memory_space<vmem>>
      %dma_wait3A_220 = arith.constant 104 : i32
      %dma_wait3A_221 = tpu.memref_slice %arg6[%dma_wait3A_214, %dma_wait3A_220] : memref<8x200xi32, #tpu.memory_space<vmem>> -> memref<1x96xi32, #tpu.memory_space<vmem>>
      %dma_wait3A_222 = tpu.memref_squeeze %dma_wait3A_221 : memref<1x96xi32, #tpu.memory_space<vmem>> -> memref<96xi32, #tpu.memory_space<vmem>>
      %dma_wait3A_223 = arith.constant 0 : i32
      %dma_wait3A_224 = arith.constant 0 : i32
      %dma_wait3A_225 = tpu.memref_slice %arg4[%dma_wait3A_223, %dma_wait3A_224] : memref<1000000x64xf32, #tpu.memory_space<hbm>> -> memref<1000000x64xf32, #tpu.memory_space<hbm>>
      tpu.wait_indirect_dma semaphore(%arg12 : memref<!tpu.dma_semaphore, #tpu.memory_space<semaphore_mem>>) src(%dma_wait3A_225 : memref<1000000x64xf32, #tpu.memory_space<hbm>>) dst(%dma_wait3A_219 : memref<96x64xf32, #tpu.memory_space<vmem>>)
      %dma_wait3A_226 = arith.constant 1 : i32
      %dma_wait3A_227 = arith.constant 1 : i32
      %dma_wait3A_228 = arith.constant 0 : i32
      %dma_wait3A_229 = arith.constant 0 : i32
      %dma_wait3A_230 = tpu.memref_slice %arg8[%dma_wait3A_227, %dma_wait3A_228, %dma_wait3A_229] : memref<2x200x64xf32, #tpu.memory_space<vmem>> -> memref<1x104x64xf32, #tpu.memory_space<vmem>>
      %dma_wait3A_231 = tpu.memref_squeeze %dma_wait3A_230 : memref<1x104x64xf32, #tpu.memory_space<vmem>> -> memref<104x64xf32, #tpu.memory_space<vmem>>
      %dma_wait3A_232 = arith.constant 0 : i32
      %dma_wait3A_233 = tpu.memref_slice %arg6[%dma_wait3A_226, %dma_wait3A_232] : memref<8x200xi32, #tpu.memory_space<vmem>> -> memref<1x104xi32, #tpu.memory_space<vmem>>
      %dma_wait3A_234 = tpu.memref_squeeze %dma_wait3A_233 : memref<1x104xi32, #tpu.memory_space<vmem>> -> memref<104xi32, #tpu.memory_space<vmem>>
      %dma_wait3A_235 = arith.constant 0 : i32
      %dma_wait3A_236 = arith.constant 0 : i32
      %dma_wait3A_237 = tpu.memref_slice %arg4[%dma_wait3A_235, %dma_wait3A_236] : memref<1000000x64xf32, #tpu.memory_space<hbm>> -> memref<1000000x64xf32, #tpu.memory_space<hbm>>
      tpu.wait_indirect_dma semaphore(%arg12 : memref<!tpu.dma_semaphore, #tpu.memory_space<semaphore_mem>>) src(%dma_wait3A_237 : memref<1000000x64xf32, #tpu.memory_space<hbm>>) dst(%dma_wait3A_231 : memref<104x64xf32, #tpu.memory_space<vmem>>)
      %dma_wait3A_238 = arith.constant 1 : i32
      %dma_wait3A_239 = arith.constant 1 : i32
      %dma_wait3A_240 = arith.constant 104 : i32
      %dma_wait3A_241 = arith.constant 0 : i32
      %dma_wait3A_242 = tpu.memref_slice %arg8[%dma_wait3A_239, %dma_wait3A_240, %dma_wait3A_241] : memref<2x200x64xf32, #tpu.memory_space<vmem>> -> memref<1x96x64xf32, #tpu.memory_space<vmem>>
      %dma_wait3A_243 = tpu.memref_squeeze %dma_wait3A_242 : memref<1x96x64xf32, #tpu.memory_space<vmem>> -> memref<96x64xf32, #tpu.memory_space<vmem>>
      %dma_wait3A_244 = arith.constant 104 : i32
      %dma_wait3A_245 = tpu.memref_slice %arg6[%dma_wait3A_238, %dma_wait3A_244] : memref<8x200xi32, #tpu.memory_space<vmem>> -> memref<1x96xi32, #tpu.memory_space<vmem>>
      %dma_wait3A_246 = tpu.memref_squeeze %dma_wait3A_245 : memref<1x96xi32, #tpu.memory_space<vmem>> -> memref<96xi32, #tpu.memory_space<vmem>>
      %dma_wait3A_247 = arith.constant 0 : i32
      %dma_wait3A_248 = arith.constant 0 : i32
      %dma_wait3A_249 = tpu.memref_slice %arg4[%dma_wait3A_247, %dma_wait3A_248] : memref<1000000x64xf32, #tpu.memory_space<hbm>> -> memref<1000000x64xf32, #tpu.memory_space<hbm>>
      tpu.wait_indirect_dma semaphore(%arg12 : memref<!tpu.dma_semaphore, #tpu.memory_space<semaphore_mem>>) src(%dma_wait3A_249 : memref<1000000x64xf32, #tpu.memory_space<hbm>>) dst(%dma_wait3A_243 : memref<96x64xf32, #tpu.memory_space<vmem>>)
      %parallel_loop3A = arith.constant 0 : i32
      %parallel_loop3A_250 = arith.constant 200 : i32
      %parallel_loop3A_251 = arith.constant 1 : i32
      scf.for %parallel_loop3A_461 = %parallel_loop3A to %parallel_loop3A_250 step %parallel_loop3A_251  : i32 {
        %parallel_loop3A_462 = arith.index_cast %parallel_loop3A_461 : i32 to index
        %parallel_loop3A_463 = arith.constant 0 : index
        %parallel_loop3A_464 = tpu.vector_load %arg7[%parallel_loop3A_462, %parallel_loop3A_463] {strides = array<i32>} : memref<200x64xf32, #tpu.memory_space<vmem>>, vector<1x16xf32>,
        %parallel_loop3A_465 = vector.shape_cast %parallel_loop3A_464 : vector<1x16xf32> to vector<16xf32>
        %parallel_loop3A_466 = arith.index_cast %parallel_loop3A_461 : i32 to index
        %parallel_loop3A_467 = arith.constant 16 : index
        %parallel_loop3A_468 = tpu.vector_load %arg7[%parallel_loop3A_466, %parallel_loop3A_467] {strides = array<i32>} : memref<200x64xf32, #tpu.memory_space<vmem>>, vector<1x16xf32>,
        %parallel_loop3A_469 = vector.shape_cast %parallel_loop3A_468 : vector<1x16xf32> to vector<16xf32>
        %parallel_loop3A_470 = arith.index_cast %parallel_loop3A_461 : i32 to index
        %parallel_loop3A_471 = arith.constant 32 : index
        %parallel_loop3A_472 = tpu.vector_load %arg7[%parallel_loop3A_470, %parallel_loop3A_471] {strides = array<i32>} : memref<200x64xf32, #tpu.memory_space<vmem>>, vector<1x16xf32>,
        %parallel_loop3A_473 = vector.shape_cast %parallel_loop3A_472 : vector<1x16xf32> to vector<16xf32>
        %parallel_loop3A_474 = arith.index_cast %parallel_loop3A_461 : i32 to index
        %parallel_loop3A_475 = arith.constant 48 : index
        %parallel_loop3A_476 = tpu.vector_load %arg7[%parallel_loop3A_474, %parallel_loop3A_475] {strides = array<i32>} : memref<200x64xf32, #tpu.memory_space<vmem>>, vector<1x16xf32>,
        %parallel_loop3A_477 = vector.shape_cast %parallel_loop3A_476 : vector<1x16xf32> to vector<16xf32>
        %parallel_loop3A_478 = arith.constant 0 : i32
        %parallel_loop3A_479 = arith.index_cast %parallel_loop3A_478 : i32 to index
        %parallel_loop3A_480 = arith.index_cast %parallel_loop3A_461 : i32 to index
        %parallel_loop3A_481 = arith.constant 0 : index
        %parallel_loop3A_482 = tpu.vector_load %arg8[%parallel_loop3A_479, %parallel_loop3A_480, %parallel_loop3A_481] {strides = array<i32>} : memref<2x200x64xf32, #tpu.memory_space<vmem>>, vector<1x1x16xf32>,
        %parallel_loop3A_483 = vector.shape_cast %parallel_loop3A_482 : vector<1x1x16xf32> to vector<16xf32>
        %parallel_loop3A_484 = arith.constant 0 : i32
        %parallel_loop3A_485 = arith.index_cast %parallel_loop3A_484 : i32 to index
        %parallel_loop3A_486 = arith.index_cast %parallel_loop3A_461 : i32 to index
        %parallel_loop3A_487 = arith.constant 16 : index
        %parallel_loop3A_488 = tpu.vector_load %arg8[%parallel_loop3A_485, %parallel_loop3A_486, %parallel_loop3A_487] {strides = array<i32>} : memref<2x200x64xf32, #tpu.memory_space<vmem>>, vector<1x1x16xf32>,
        %parallel_loop3A_489 = vector.shape_cast %parallel_loop3A_488 : vector<1x1x16xf32> to vector<16xf32>
        %parallel_loop3A_490 = arith.constant 0 : i32
        %parallel_loop3A_491 = arith.index_cast %parallel_loop3A_490 : i32 to index
        %parallel_loop3A_492 = arith.index_cast %parallel_loop3A_461 : i32 to index
        %parallel_loop3A_493 = arith.constant 32 : index
        %parallel_loop3A_494 = tpu.vector_load %arg8[%parallel_loop3A_491, %parallel_loop3A_492, %parallel_loop3A_493] {strides = array<i32>} : memref<2x200x64xf32, #tpu.memory_space<vmem>>, vector<1x1x16xf32>,
        %parallel_loop3A_495 = vector.shape_cast %parallel_loop3A_494 : vector<1x1x16xf32> to vector<16xf32>
        %parallel_loop3A_496 = arith.constant 0 : i32
        %parallel_loop3A_497 = arith.index_cast %parallel_loop3A_496 : i32 to index
        %parallel_loop3A_498 = arith.index_cast %parallel_loop3A_461 : i32 to index
        %parallel_loop3A_499 = arith.constant 48 : index
        %parallel_loop3A_500 = tpu.vector_load %arg8[%parallel_loop3A_497, %parallel_loop3A_498, %parallel_loop3A_499] {strides = array<i32>} : memref<2x200x64xf32, #tpu.memory_space<vmem>>, vector<1x1x16xf32>,
        %parallel_loop3A_501 = vector.shape_cast %parallel_loop3A_500 : vector<1x1x16xf32> to vector<16xf32>
        %parallel_loop3A_502 = arith.mulf %parallel_loop3A_483, %parallel_loop3A_465 : vector<16xf32>
        %parallel_loop3A_503 = arith.mulf %parallel_loop3A_495, %parallel_loop3A_473 : vector<16xf32>
        %parallel_loop3A_504 = arith.subf %parallel_loop3A_502, %parallel_loop3A_503 : vector<16xf32>
        %parallel_loop3A_505 = arith.constant 0 : i32
        %parallel_loop3A_506 = arith.index_cast %parallel_loop3A_505 : i32 to index
        %parallel_loop3A_507 = arith.index_cast %parallel_loop3A_461 : i32 to index
        %parallel_loop3A_508 = arith.constant 0 : index
        %parallel_loop3A_509 = tpu.vector_load %arg8[%parallel_loop3A_506, %parallel_loop3A_507, %parallel_loop3A_508] {strides = array<i32>} : memref<2x200x64xf32, #tpu.memory_space<vmem>>, vector<1x1x16xf32>,
        %parallel_loop3A_510 = vector.shape_cast %parallel_loop3A_509 : vector<1x1x16xf32> to vector<16xf32>
        %parallel_loop3A_511 = vector.shape_cast %parallel_loop3A_504 : vector<16xf32> to vector<1x1x16xf32>
        tpu.vector_store %arg8[%parallel_loop3A_506, %parallel_loop3A_507, %parallel_loop3A_508], %parallel_loop3A_511 {strides = array<i32>} : memref<2x200x64xf32, #tpu.memory_space<vmem>>, vector<1x1x16xf32>,
        %parallel_loop3A_512 = arith.mulf %parallel_loop3A_489, %parallel_loop3A_469 : vector<16xf32>
        %parallel_loop3A_513 = arith.mulf %parallel_loop3A_501, %parallel_loop3A_477 : vector<16xf32>
        %parallel_loop3A_514 = arith.subf %parallel_loop3A_512, %parallel_loop3A_513 : vector<16xf32>
        %parallel_loop3A_515 = arith.constant 0 : i32
        %parallel_loop3A_516 = arith.index_cast %parallel_loop3A_515 : i32 to index
        %parallel_loop3A_517 = arith.index_cast %parallel_loop3A_461 : i32 to index
        %parallel_loop3A_518 = arith.constant 16 : index
        %parallel_loop3A_519 = tpu.vector_load %arg8[%parallel_loop3A_516, %parallel_loop3A_517, %parallel_loop3A_518] {strides = array<i32>} : memref<2x200x64xf32, #tpu.memory_space<vmem>>, vector<1x1x16xf32>,
        %parallel_loop3A_520 = vector.shape_cast %parallel_loop3A_519 : vector<1x1x16xf32> to vector<16xf32>
        %parallel_loop3A_521 = vector.shape_cast %parallel_loop3A_514 : vector<16xf32> to vector<1x1x16xf32>
        tpu.vector_store %arg8[%parallel_loop3A_516, %parallel_loop3A_517, %parallel_loop3A_518], %parallel_loop3A_521 {strides = array<i32>} : memref<2x200x64xf32, #tpu.memory_space<vmem>>, vector<1x1x16xf32>,
        %parallel_loop3A_522 = arith.mulf %parallel_loop3A_483, %parallel_loop3A_473 : vector<16xf32>
        %parallel_loop3A_523 = arith.mulf %parallel_loop3A_495, %parallel_loop3A_465 : vector<16xf32>
        %parallel_loop3A_524 = arith.addf %parallel_loop3A_522, %parallel_loop3A_523 : vector<16xf32>
        %parallel_loop3A_525 = arith.constant 0 : i32
        %parallel_loop3A_526 = arith.index_cast %parallel_loop3A_525 : i32 to index
        %parallel_loop3A_527 = arith.index_cast %parallel_loop3A_461 : i32 to index
        %parallel_loop3A_528 = arith.constant 32 : index
        %parallel_loop3A_529 = tpu.vector_load %arg8[%parallel_loop3A_526, %parallel_loop3A_527, %parallel_loop3A_528] {strides = array<i32>} : memref<2x200x64xf32, #tpu.memory_space<vmem>>, vector<1x1x16xf32>,
        %parallel_loop3A_530 = vector.shape_cast %parallel_loop3A_529 : vector<1x1x16xf32> to vector<16xf32>
        %parallel_loop3A_531 = vector.shape_cast %parallel_loop3A_524 : vector<16xf32> to vector<1x1x16xf32>
        tpu.vector_store %arg8[%parallel_loop3A_526, %parallel_loop3A_527, %parallel_loop3A_528], %parallel_loop3A_531 {strides = array<i32>} : memref<2x200x64xf32, #tpu.memory_space<vmem>>, vector<1x1x16xf32>,
        %parallel_loop3A_532 = arith.mulf %parallel_loop3A_489, %parallel_loop3A_477 : vector<16xf32>
        %parallel_loop3A_533 = arith.mulf %parallel_loop3A_501, %parallel_loop3A_469 : vector<16xf32>
        %parallel_loop3A_534 = arith.addf %parallel_loop3A_532, %parallel_loop3A_533 : vector<16xf32>
        %parallel_loop3A_535 = arith.constant 0 : i32
        %parallel_loop3A_536 = arith.index_cast %parallel_loop3A_535 : i32 to index
        %parallel_loop3A_537 = arith.index_cast %parallel_loop3A_461 : i32 to index
        %parallel_loop3A_538 = arith.constant 48 : index
        %parallel_loop3A_539 = tpu.vector_load %arg8[%parallel_loop3A_536, %parallel_loop3A_537, %parallel_loop3A_538] {strides = array<i32>} : memref<2x200x64xf32, #tpu.memory_space<vmem>>, vector<1x1x16xf32>,
        %parallel_loop3A_540 = vector.shape_cast %parallel_loop3A_539 : vector<1x1x16xf32> to vector<16xf32>
        %parallel_loop3A_541 = vector.shape_cast %parallel_loop3A_534 : vector<16xf32> to vector<1x1x16xf32>
        tpu.vector_store %arg8[%parallel_loop3A_536, %parallel_loop3A_537, %parallel_loop3A_538], %parallel_loop3A_541 {strides = array<i32>} : memref<2x200x64xf32, #tpu.memory_space<vmem>>, vector<1x1x16xf32>,
        %parallel_loop3A_542 = arith.constant 1 : i32
        %parallel_loop3A_543 = arith.index_cast %parallel_loop3A_542 : i32 to index
        %parallel_loop3A_544 = arith.index_cast %parallel_loop3A_461 : i32 to index
        %parallel_loop3A_545 = arith.constant 0 : index
        %parallel_loop3A_546 = tpu.vector_load %arg8[%parallel_loop3A_543, %parallel_loop3A_544, %parallel_loop3A_545] {strides = array<i32>} : memref<2x200x64xf32, #tpu.memory_space<vmem>>, vector<1x1x16xf32>,
        %parallel_loop3A_547 = vector.shape_cast %parallel_loop3A_546 : vector<1x1x16xf32> to vector<16xf32>
        %parallel_loop3A_548 = arith.constant 1 : i32
        %parallel_loop3A_549 = arith.index_cast %parallel_loop3A_548 : i32 to index
        %parallel_loop3A_550 = arith.index_cast %parallel_loop3A_461 : i32 to index
        %parallel_loop3A_551 = arith.constant 16 : index
        %parallel_loop3A_552 = tpu.vector_load %arg8[%parallel_loop3A_549, %parallel_loop3A_550, %parallel_loop3A_551] {strides = array<i32>} : memref<2x200x64xf32, #tpu.memory_space<vmem>>, vector<1x1x16xf32>,
        %parallel_loop3A_553 = vector.shape_cast %parallel_loop3A_552 : vector<1x1x16xf32> to vector<16xf32>
        %parallel_loop3A_554 = arith.constant 1 : i32
        %parallel_loop3A_555 = arith.index_cast %parallel_loop3A_554 : i32 to index
        %parallel_loop3A_556 = arith.index_cast %parallel_loop3A_461 : i32 to index
        %parallel_loop3A_557 = arith.constant 32 : index
        %parallel_loop3A_558 = tpu.vector_load %arg8[%parallel_loop3A_555, %parallel_loop3A_556, %parallel_loop3A_557] {strides = array<i32>} : memref<2x200x64xf32, #tpu.memory_space<vmem>>, vector<1x1x16xf32>,
        %parallel_loop3A_559 = vector.shape_cast %parallel_loop3A_558 : vector<1x1x16xf32> to vector<16xf32>
        %parallel_loop3A_560 = arith.constant 1 : i32
        %parallel_loop3A_561 = arith.index_cast %parallel_loop3A_560 : i32 to index
        %parallel_loop3A_562 = arith.index_cast %parallel_loop3A_461 : i32 to index
        %parallel_loop3A_563 = arith.constant 48 : index
        %parallel_loop3A_564 = tpu.vector_load %arg8[%parallel_loop3A_561, %parallel_loop3A_562, %parallel_loop3A_563] {strides = array<i32>} : memref<2x200x64xf32, #tpu.memory_space<vmem>>, vector<1x1x16xf32>,
        %parallel_loop3A_565 = vector.shape_cast %parallel_loop3A_564 : vector<1x1x16xf32> to vector<16xf32>
        %parallel_loop3A_566 = arith.mulf %parallel_loop3A_547, %parallel_loop3A_465 : vector<16xf32>
        %parallel_loop3A_567 = arith.mulf %parallel_loop3A_559, %parallel_loop3A_473 : vector<16xf32>
        %parallel_loop3A_568 = arith.subf %parallel_loop3A_566, %parallel_loop3A_567 : vector<16xf32>
        %parallel_loop3A_569 = arith.constant 1 : i32
        %parallel_loop3A_570 = arith.index_cast %parallel_loop3A_569 : i32 to index
        %parallel_loop3A_571 = arith.index_cast %parallel_loop3A_461 : i32 to index
        %parallel_loop3A_572 = arith.constant 0 : index
        %parallel_loop3A_573 = tpu.vector_load %arg8[%parallel_loop3A_570, %parallel_loop3A_571, %parallel_loop3A_572] {strides = array<i32>} : memref<2x200x64xf32, #tpu.memory_space<vmem>>, vector<1x1x16xf32>,
        %parallel_loop3A_574 = vector.shape_cast %parallel_loop3A_573 : vector<1x1x16xf32> to vector<16xf32>
        %parallel_loop3A_575 = vector.shape_cast %parallel_loop3A_568 : vector<16xf32> to vector<1x1x16xf32>
        tpu.vector_store %arg8[%parallel_loop3A_570, %parallel_loop3A_571, %parallel_loop3A_572], %parallel_loop3A_575 {strides = array<i32>} : memref<2x200x64xf32, #tpu.memory_space<vmem>>, vector<1x1x16xf32>,
        %parallel_loop3A_576 = arith.mulf %parallel_loop3A_553, %parallel_loop3A_469 : vector<16xf32>
        %parallel_loop3A_577 = arith.mulf %parallel_loop3A_565, %parallel_loop3A_477 : vector<16xf32>
        %parallel_loop3A_578 = arith.subf %parallel_loop3A_576, %parallel_loop3A_577 : vector<16xf32>
        %parallel_loop3A_579 = arith.constant 1 : i32
        %parallel_loop3A_580 = arith.index_cast %parallel_loop3A_579 : i32 to index
        %parallel_loop3A_581 = arith.index_cast %parallel_loop3A_461 : i32 to index
        %parallel_loop3A_582 = arith.constant 16 : index
        %parallel_loop3A_583 = tpu.vector_load %arg8[%parallel_loop3A_580, %parallel_loop3A_581, %parallel_loop3A_582] {strides = array<i32>} : memref<2x200x64xf32, #tpu.memory_space<vmem>>, vector<1x1x16xf32>,
        %parallel_loop3A_584 = vector.shape_cast %parallel_loop3A_583 : vector<1x1x16xf32> to vector<16xf32>
        %parallel_loop3A_585 = vector.shape_cast %parallel_loop3A_578 : vector<16xf32> to vector<1x1x16xf32>
        tpu.vector_store %arg8[%parallel_loop3A_580, %parallel_loop3A_581, %parallel_loop3A_582], %parallel_loop3A_585 {strides = array<i32>} : memref<2x200x64xf32, #tpu.memory_space<vmem>>, vector<1x1x16xf32>,
        %parallel_loop3A_586 = arith.mulf %parallel_loop3A_547, %parallel_loop3A_473 : vector<16xf32>
        %parallel_loop3A_587 = arith.mulf %parallel_loop3A_559, %parallel_loop3A_465 : vector<16xf32>
        %parallel_loop3A_588 = arith.addf %parallel_loop3A_586, %parallel_loop3A_587 : vector<16xf32>
        %parallel_loop3A_589 = arith.constant 1 : i32
        %parallel_loop3A_590 = arith.index_cast %parallel_loop3A_589 : i32 to index
        %parallel_loop3A_591 = arith.index_cast %parallel_loop3A_461 : i32 to index
        %parallel_loop3A_592 = arith.constant 32 : index
        %parallel_loop3A_593 = tpu.vector_load %arg8[%parallel_loop3A_590, %parallel_loop3A_591, %parallel_loop3A_592] {strides = array<i32>} : memref<2x200x64xf32, #tpu.memory_space<vmem>>, vector<1x1x16xf32>,
        %parallel_loop3A_594 = vector.shape_cast %parallel_loop3A_593 : vector<1x1x16xf32> to vector<16xf32>
        %parallel_loop3A_595 = vector.shape_cast %parallel_loop3A_588 : vector<16xf32> to vector<1x1x16xf32>
        tpu.vector_store %arg8[%parallel_loop3A_590, %parallel_loop3A_591, %parallel_loop3A_592], %parallel_loop3A_595 {strides = array<i32>} : memref<2x200x64xf32, #tpu.memory_space<vmem>>, vector<1x1x16xf32>,
        %parallel_loop3A_596 = arith.mulf %parallel_loop3A_553, %parallel_loop3A_477 : vector<16xf32>
        %parallel_loop3A_597 = arith.mulf %parallel_loop3A_565, %parallel_loop3A_469 : vector<16xf32>
        %parallel_loop3A_598 = arith.addf %parallel_loop3A_596, %parallel_loop3A_597 : vector<16xf32>
        %parallel_loop3A_599 = arith.constant 1 : i32
        %parallel_loop3A_600 = arith.index_cast %parallel_loop3A_599 : i32 to index
        %parallel_loop3A_601 = arith.index_cast %parallel_loop3A_461 : i32 to index
        %parallel_loop3A_602 = arith.constant 48 : index
        %parallel_loop3A_603 = tpu.vector_load %arg8[%parallel_loop3A_600, %parallel_loop3A_601, %parallel_loop3A_602] {strides = array<i32>} : memref<2x200x64xf32, #tpu.memory_space<vmem>>, vector<1x1x16xf32>,
        %parallel_loop3A_604 = vector.shape_cast %parallel_loop3A_603 : vector<1x1x16xf32> to vector<16xf32>
        %parallel_loop3A_605 = vector.shape_cast %parallel_loop3A_598 : vector<16xf32> to vector<1x1x16xf32>
        tpu.vector_store %arg8[%parallel_loop3A_600, %parallel_loop3A_601, %parallel_loop3A_602], %parallel_loop3A_605 {strides = array<i32>} : memref<2x200x64xf32, #tpu.memory_space<vmem>>, vector<1x1x16xf32>,
      } {sc.loop_unroll_factor = 2 : i64, sc.parallel_access}
      %add3A_252 = arith.constant 0 : i32
      %add3A_253 = arith.addi %add3A_11, %add3A_252 : i32
      %dma_start3A_254 = arith.constant 0 : i32
      %dma_start3A_255 = arith.constant 0 : i32
      %dma_start3A_256 = tpu.memref_slice %arg5[%add3A_253, %dma_start3A_254, %dma_start3A_255] : memref<4096x200x64xf32, #tpu.memory_space<hbm>> -> memref<2x200x64xf32, #tpu.memory_space<hbm>>
      %dma_start3A_257 = arith.constant 0 : i32
      %dma_start3A_258 = arith.constant 0 : i32
      %dma_start3A_259 = tpu.memref_slice %arg5[%add3A_253, %dma_start3A_257, %dma_start3A_258] : memref<4096x200x64xf32, #tpu.memory_space<hbm>> -> memref<2x200x64xf32, #tpu.memory_space<hbm>>
      tpu.enqueue_dma source(%arg8 : memref<2x200x64xf32, #tpu.memory_space<vmem>>) target(%dma_start3A_259 : memref<2x200x64xf32, #tpu.memory_space<hbm>>) target_semaphore(%arg16 : memref<!tpu.dma_semaphore, #tpu.memory_space<semaphore_mem>>)
      %dma_wait3A_260 = arith.constant 2 : i32
      %dma_wait3A_261 = arith.constant 0 : i32
      %dma_wait3A_262 = arith.constant 0 : i32
      %dma_wait3A_263 = arith.constant 0 : i32
      %dma_wait3A_264 = tpu.memref_slice %arg9[%dma_wait3A_261, %dma_wait3A_262, %dma_wait3A_263] : memref<2x200x64xf32, #tpu.memory_space<vmem>> -> memref<1x104x64xf32, #tpu.memory_space<vmem>>
      %dma_wait3A_265 = tpu.memref_squeeze %dma_wait3A_264 : memref<1x104x64xf32, #tpu.memory_space<vmem>> -> memref<104x64xf32, #tpu.memory_space<vmem>>
      %dma_wait3A_266 = arith.constant 0 : i32
      %dma_wait3A_267 = tpu.memref_slice %arg6[%dma_wait3A_260, %dma_wait3A_266] : memref<8x200xi32, #tpu.memory_space<vmem>> -> memref<1x104xi32, #tpu.memory_space<vmem>>
      %dma_wait3A_268 = tpu.memref_squeeze %dma_wait3A_267 : memref<1x104xi32, #tpu.memory_space<vmem>> -> memref<104xi32, #tpu.memory_space<vmem>>
      %dma_wait3A_269 = arith.constant 0 : i32
      %dma_wait3A_270 = arith.constant 0 : i32
      %dma_wait3A_271 = tpu.memref_slice %arg4[%dma_wait3A_269, %dma_wait3A_270] : memref<1000000x64xf32, #tpu.memory_space<hbm>> -> memref<1000000x64xf32, #tpu.memory_space<hbm>>
      tpu.wait_indirect_dma semaphore(%arg13 : memref<!tpu.dma_semaphore, #tpu.memory_space<semaphore_mem>>) src(%dma_wait3A_271 : memref<1000000x64xf32, #tpu.memory_space<hbm>>) dst(%dma_wait3A_265 : memref<104x64xf32, #tpu.memory_space<vmem>>)
      %dma_wait3A_272 = arith.constant 2 : i32
      %dma_wait3A_273 = arith.constant 0 : i32
      %dma_wait3A_274 = arith.constant 104 : i32
      %dma_wait3A_275 = arith.constant 0 : i32
      %dma_wait3A_276 = tpu.memref_slice %arg9[%dma_wait3A_273, %dma_wait3A_274, %dma_wait3A_275] : memref<2x200x64xf32, #tpu.memory_space<vmem>> -> memref<1x96x64xf32, #tpu.memory_space<vmem>>
      %dma_wait3A_277 = tpu.memref_squeeze %dma_wait3A_276 : memref<1x96x64xf32, #tpu.memory_space<vmem>> -> memref<96x64xf32, #tpu.memory_space<vmem>>
      %dma_wait3A_278 = arith.constant 104 : i32
      %dma_wait3A_279 = tpu.memref_slice %arg6[%dma_wait3A_272, %dma_wait3A_278] : memref<8x200xi32, #tpu.memory_space<vmem>> -> memref<1x96xi32, #tpu.memory_space<vmem>>
      %dma_wait3A_280 = tpu.memref_squeeze %dma_wait3A_279 : memref<1x96xi32, #tpu.memory_space<vmem>> -> memref<96xi32, #tpu.memory_space<vmem>>
      %dma_wait3A_281 = arith.constant 0 : i32
      %dma_wait3A_282 = arith.constant 0 : i32
      %dma_wait3A_283 = tpu.memref_slice %arg4[%dma_wait3A_281, %dma_wait3A_282] : memref<1000000x64xf32, #tpu.memory_space<hbm>> -> memref<1000000x64xf32, #tpu.memory_space<hbm>>
      tpu.wait_indirect_dma semaphore(%arg13 : memref<!tpu.dma_semaphore, #tpu.memory_space<semaphore_mem>>) src(%dma_wait3A_283 : memref<1000000x64xf32, #tpu.memory_space<hbm>>) dst(%dma_wait3A_277 : memref<96x64xf32, #tpu.memory_space<vmem>>)
      %dma_wait3A_284 = arith.constant 3 : i32
      %dma_wait3A_285 = arith.constant 1 : i32
      %dma_wait3A_286 = arith.constant 0 : i32
      %dma_wait3A_287 = arith.constant 0 : i32
      %dma_wait3A_288 = tpu.memref_slice %arg9[%dma_wait3A_285, %dma_wait3A_286, %dma_wait3A_287] : memref<2x200x64xf32, #tpu.memory_space<vmem>> -> memref<1x104x64xf32, #tpu.memory_space<vmem>>
      %dma_wait3A_289 = tpu.memref_squeeze %dma_wait3A_288 : memref<1x104x64xf32, #tpu.memory_space<vmem>> -> memref<104x64xf32, #tpu.memory_space<vmem>>
      %dma_wait3A_290 = arith.constant 0 : i32
      %dma_wait3A_291 = tpu.memref_slice %arg6[%dma_wait3A_284, %dma_wait3A_290] : memref<8x200xi32, #tpu.memory_space<vmem>> -> memref<1x104xi32, #tpu.memory_space<vmem>>
      %dma_wait3A_292 = tpu.memref_squeeze %dma_wait3A_291 : memref<1x104xi32, #tpu.memory_space<vmem>> -> memref<104xi32, #tpu.memory_space<vmem>>
      %dma_wait3A_293 = arith.constant 0 : i32
      %dma_wait3A_294 = arith.constant 0 : i32
      %dma_wait3A_295 = tpu.memref_slice %arg4[%dma_wait3A_293, %dma_wait3A_294] : memref<1000000x64xf32, #tpu.memory_space<hbm>> -> memref<1000000x64xf32, #tpu.memory_space<hbm>>
      tpu.wait_indirect_dma semaphore(%arg13 : memref<!tpu.dma_semaphore, #tpu.memory_space<semaphore_mem>>) src(%dma_wait3A_295 : memref<1000000x64xf32, #tpu.memory_space<hbm>>) dst(%dma_wait3A_289 : memref<104x64xf32, #tpu.memory_space<vmem>>)
      %dma_wait3A_296 = arith.constant 3 : i32
      %dma_wait3A_297 = arith.constant 1 : i32
      %dma_wait3A_298 = arith.constant 104 : i32
      %dma_wait3A_299 = arith.constant 0 : i32
      %dma_wait3A_300 = tpu.memref_slice %arg9[%dma_wait3A_297, %dma_wait3A_298, %dma_wait3A_299] : memref<2x200x64xf32, #tpu.memory_space<vmem>> -> memref<1x96x64xf32, #tpu.memory_space<vmem>>
      %dma_wait3A_301 = tpu.memref_squeeze %dma_wait3A_300 : memref<1x96x64xf32, #tpu.memory_space<vmem>> -> memref<96x64xf32, #tpu.memory_space<vmem>>
      %dma_wait3A_302 = arith.constant 104 : i32
      %dma_wait3A_303 = tpu.memref_slice %arg6[%dma_wait3A_296, %dma_wait3A_302] : memref<8x200xi32, #tpu.memory_space<vmem>> -> memref<1x96xi32, #tpu.memory_space<vmem>>
      %dma_wait3A_304 = tpu.memref_squeeze %dma_wait3A_303 : memref<1x96xi32, #tpu.memory_space<vmem>> -> memref<96xi32, #tpu.memory_space<vmem>>
      %dma_wait3A_305 = arith.constant 0 : i32
      %dma_wait3A_306 = arith.constant 0 : i32
      %dma_wait3A_307 = tpu.memref_slice %arg4[%dma_wait3A_305, %dma_wait3A_306] : memref<1000000x64xf32, #tpu.memory_space<hbm>> -> memref<1000000x64xf32, #tpu.memory_space<hbm>>
      tpu.wait_indirect_dma semaphore(%arg13 : memref<!tpu.dma_semaphore, #tpu.memory_space<semaphore_mem>>) src(%dma_wait3A_307 : memref<1000000x64xf32, #tpu.memory_space<hbm>>) dst(%dma_wait3A_301 : memref<96x64xf32, #tpu.memory_space<vmem>>)
      %parallel_loop3A_308 = arith.constant 0 : i32
      %parallel_loop3A_309 = arith.constant 200 : i32
      %parallel_loop3A_310 = arith.constant 1 : i32
      scf.for %parallel_loop3A_461 = %parallel_loop3A_308 to %parallel_loop3A_309 step %parallel_loop3A_310  : i32 {
        %parallel_loop3A_462 = arith.index_cast %parallel_loop3A_461 : i32 to index
        %parallel_loop3A_463 = arith.constant 0 : index
        %parallel_loop3A_464 = tpu.vector_load %arg7[%parallel_loop3A_462, %parallel_loop3A_463] {strides = array<i32>} : memref<200x64xf32, #tpu.memory_space<vmem>>, vector<1x16xf32>,
        %parallel_loop3A_465 = vector.shape_cast %parallel_loop3A_464 : vector<1x16xf32> to vector<16xf32>
        %parallel_loop3A_466 = arith.index_cast %parallel_loop3A_461 : i32 to index
        %parallel_loop3A_467 = arith.constant 16 : index
        %parallel_loop3A_468 = tpu.vector_load %arg7[%parallel_loop3A_466, %parallel_loop3A_467] {strides = array<i32>} : memref<200x64xf32, #tpu.memory_space<vmem>>, vector<1x16xf32>,
        %parallel_loop3A_469 = vector.shape_cast %parallel_loop3A_468 : vector<1x16xf32> to vector<16xf32>
        %parallel_loop3A_470 = arith.index_cast %parallel_loop3A_461 : i32 to index
        %parallel_loop3A_471 = arith.constant 32 : index
        %parallel_loop3A_472 = tpu.vector_load %arg7[%parallel_loop3A_470, %parallel_loop3A_471] {strides = array<i32>} : memref<200x64xf32, #tpu.memory_space<vmem>>, vector<1x16xf32>,
        %parallel_loop3A_473 = vector.shape_cast %parallel_loop3A_472 : vector<1x16xf32> to vector<16xf32>
        %parallel_loop3A_474 = arith.index_cast %parallel_loop3A_461 : i32 to index
        %parallel_loop3A_475 = arith.constant 48 : index
        %parallel_loop3A_476 = tpu.vector_load %arg7[%parallel_loop3A_474, %parallel_loop3A_475] {strides = array<i32>} : memref<200x64xf32, #tpu.memory_space<vmem>>, vector<1x16xf32>,
        %parallel_loop3A_477 = vector.shape_cast %parallel_loop3A_476 : vector<1x16xf32> to vector<16xf32>
        %parallel_loop3A_478 = arith.constant 0 : i32
        %parallel_loop3A_479 = arith.index_cast %parallel_loop3A_478 : i32 to index
        %parallel_loop3A_480 = arith.index_cast %parallel_loop3A_461 : i32 to index
        %parallel_loop3A_481 = arith.constant 0 : index
        %parallel_loop3A_482 = tpu.vector_load %arg9[%parallel_loop3A_479, %parallel_loop3A_480, %parallel_loop3A_481] {strides = array<i32>} : memref<2x200x64xf32, #tpu.memory_space<vmem>>, vector<1x1x16xf32>,
        %parallel_loop3A_483 = vector.shape_cast %parallel_loop3A_482 : vector<1x1x16xf32> to vector<16xf32>
        %parallel_loop3A_484 = arith.constant 0 : i32
        %parallel_loop3A_485 = arith.index_cast %parallel_loop3A_484 : i32 to index
        %parallel_loop3A_486 = arith.index_cast %parallel_loop3A_461 : i32 to index
        %parallel_loop3A_487 = arith.constant 16 : index
        %parallel_loop3A_488 = tpu.vector_load %arg9[%parallel_loop3A_485, %parallel_loop3A_486, %parallel_loop3A_487] {strides = array<i32>} : memref<2x200x64xf32, #tpu.memory_space<vmem>>, vector<1x1x16xf32>,
        %parallel_loop3A_489 = vector.shape_cast %parallel_loop3A_488 : vector<1x1x16xf32> to vector<16xf32>
        %parallel_loop3A_490 = arith.constant 0 : i32
        %parallel_loop3A_491 = arith.index_cast %parallel_loop3A_490 : i32 to index
        %parallel_loop3A_492 = arith.index_cast %parallel_loop3A_461 : i32 to index
        %parallel_loop3A_493 = arith.constant 32 : index
        %parallel_loop3A_494 = tpu.vector_load %arg9[%parallel_loop3A_491, %parallel_loop3A_492, %parallel_loop3A_493] {strides = array<i32>} : memref<2x200x64xf32, #tpu.memory_space<vmem>>, vector<1x1x16xf32>,
        %parallel_loop3A_495 = vector.shape_cast %parallel_loop3A_494 : vector<1x1x16xf32> to vector<16xf32>
        %parallel_loop3A_496 = arith.constant 0 : i32
        %parallel_loop3A_497 = arith.index_cast %parallel_loop3A_496 : i32 to index
        %parallel_loop3A_498 = arith.index_cast %parallel_loop3A_461 : i32 to index
        %parallel_loop3A_499 = arith.constant 48 : index
        %parallel_loop3A_500 = tpu.vector_load %arg9[%parallel_loop3A_497, %parallel_loop3A_498, %parallel_loop3A_499] {strides = array<i32>} : memref<2x200x64xf32, #tpu.memory_space<vmem>>, vector<1x1x16xf32>,
        %parallel_loop3A_501 = vector.shape_cast %parallel_loop3A_500 : vector<1x1x16xf32> to vector<16xf32>
        %parallel_loop3A_502 = arith.mulf %parallel_loop3A_483, %parallel_loop3A_465 : vector<16xf32>
        %parallel_loop3A_503 = arith.mulf %parallel_loop3A_495, %parallel_loop3A_473 : vector<16xf32>
        %parallel_loop3A_504 = arith.subf %parallel_loop3A_502, %parallel_loop3A_503 : vector<16xf32>
        %parallel_loop3A_505 = arith.constant 0 : i32
        %parallel_loop3A_506 = arith.index_cast %parallel_loop3A_505 : i32 to index
        %parallel_loop3A_507 = arith.index_cast %parallel_loop3A_461 : i32 to index
        %parallel_loop3A_508 = arith.constant 0 : index
        %parallel_loop3A_509 = tpu.vector_load %arg9[%parallel_loop3A_506, %parallel_loop3A_507, %parallel_loop3A_508] {strides = array<i32>} : memref<2x200x64xf32, #tpu.memory_space<vmem>>, vector<1x1x16xf32>,
        %parallel_loop3A_510 = vector.shape_cast %parallel_loop3A_509 : vector<1x1x16xf32> to vector<16xf32>
        %parallel_loop3A_511 = vector.shape_cast %parallel_loop3A_504 : vector<16xf32> to vector<1x1x16xf32>
        tpu.vector_store %arg9[%parallel_loop3A_506, %parallel_loop3A_507, %parallel_loop3A_508], %parallel_loop3A_511 {strides = array<i32>} : memref<2x200x64xf32, #tpu.memory_space<vmem>>, vector<1x1x16xf32>,
        %parallel_loop3A_512 = arith.mulf %parallel_loop3A_489, %parallel_loop3A_469 : vector<16xf32>
        %parallel_loop3A_513 = arith.mulf %parallel_loop3A_501, %parallel_loop3A_477 : vector<16xf32>
        %parallel_loop3A_514 = arith.subf %parallel_loop3A_512, %parallel_loop3A_513 : vector<16xf32>
        %parallel_loop3A_515 = arith.constant 0 : i32
        %parallel_loop3A_516 = arith.index_cast %parallel_loop3A_515 : i32 to index
        %parallel_loop3A_517 = arith.index_cast %parallel_loop3A_461 : i32 to index
        %parallel_loop3A_518 = arith.constant 16 : index
        %parallel_loop3A_519 = tpu.vector_load %arg9[%parallel_loop3A_516, %parallel_loop3A_517, %parallel_loop3A_518] {strides = array<i32>} : memref<2x200x64xf32, #tpu.memory_space<vmem>>, vector<1x1x16xf32>,
        %parallel_loop3A_520 = vector.shape_cast %parallel_loop3A_519 : vector<1x1x16xf32> to vector<16xf32>
        %parallel_loop3A_521 = vector.shape_cast %parallel_loop3A_514 : vector<16xf32> to vector<1x1x16xf32>
        tpu.vector_store %arg9[%parallel_loop3A_516, %parallel_loop3A_517, %parallel_loop3A_518], %parallel_loop3A_521 {strides = array<i32>} : memref<2x200x64xf32, #tpu.memory_space<vmem>>, vector<1x1x16xf32>,
        %parallel_loop3A_522 = arith.mulf %parallel_loop3A_483, %parallel_loop3A_473 : vector<16xf32>
        %parallel_loop3A_523 = arith.mulf %parallel_loop3A_495, %parallel_loop3A_465 : vector<16xf32>
        %parallel_loop3A_524 = arith.addf %parallel_loop3A_522, %parallel_loop3A_523 : vector<16xf32>
        %parallel_loop3A_525 = arith.constant 0 : i32
        %parallel_loop3A_526 = arith.index_cast %parallel_loop3A_525 : i32 to index
        %parallel_loop3A_527 = arith.index_cast %parallel_loop3A_461 : i32 to index
        %parallel_loop3A_528 = arith.constant 32 : index
        %parallel_loop3A_529 = tpu.vector_load %arg9[%parallel_loop3A_526, %parallel_loop3A_527, %parallel_loop3A_528] {strides = array<i32>} : memref<2x200x64xf32, #tpu.memory_space<vmem>>, vector<1x1x16xf32>,
        %parallel_loop3A_530 = vector.shape_cast %parallel_loop3A_529 : vector<1x1x16xf32> to vector<16xf32>
        %parallel_loop3A_531 = vector.shape_cast %parallel_loop3A_524 : vector<16xf32> to vector<1x1x16xf32>
        tpu.vector_store %arg9[%parallel_loop3A_526, %parallel_loop3A_527, %parallel_loop3A_528], %parallel_loop3A_531 {strides = array<i32>} : memref<2x200x64xf32, #tpu.memory_space<vmem>>, vector<1x1x16xf32>,
        %parallel_loop3A_532 = arith.mulf %parallel_loop3A_489, %parallel_loop3A_477 : vector<16xf32>
        %parallel_loop3A_533 = arith.mulf %parallel_loop3A_501, %parallel_loop3A_469 : vector<16xf32>
        %parallel_loop3A_534 = arith.addf %parallel_loop3A_532, %parallel_loop3A_533 : vector<16xf32>
        %parallel_loop3A_535 = arith.constant 0 : i32
        %parallel_loop3A_536 = arith.index_cast %parallel_loop3A_535 : i32 to index
        %parallel_loop3A_537 = arith.index_cast %parallel_loop3A_461 : i32 to index
        %parallel_loop3A_538 = arith.constant 48 : index
        %parallel_loop3A_539 = tpu.vector_load %arg9[%parallel_loop3A_536, %parallel_loop3A_537, %parallel_loop3A_538] {strides = array<i32>} : memref<2x200x64xf32, #tpu.memory_space<vmem>>, vector<1x1x16xf32>,
        %parallel_loop3A_540 = vector.shape_cast %parallel_loop3A_539 : vector<1x1x16xf32> to vector<16xf32>
        %parallel_loop3A_541 = vector.shape_cast %parallel_loop3A_534 : vector<16xf32> to vector<1x1x16xf32>
        tpu.vector_store %arg9[%parallel_loop3A_536, %parallel_loop3A_537, %parallel_loop3A_538], %parallel_loop3A_541 {strides = array<i32>} : memref<2x200x64xf32, #tpu.memory_space<vmem>>, vector<1x1x16xf32>,
        %parallel_loop3A_542 = arith.constant 1 : i32
        %parallel_loop3A_543 = arith.index_cast %parallel_loop3A_542 : i32 to index
        %parallel_loop3A_544 = arith.index_cast %parallel_loop3A_461 : i32 to index
        %parallel_loop3A_545 = arith.constant 0 : index
        %parallel_loop3A_546 = tpu.vector_load %arg9[%parallel_loop3A_543, %parallel_loop3A_544, %parallel_loop3A_545] {strides = array<i32>} : memref<2x200x64xf32, #tpu.memory_space<vmem>>, vector<1x1x16xf32>,
        %parallel_loop3A_547 = vector.shape_cast %parallel_loop3A_546 : vector<1x1x16xf32> to vector<16xf32>
        %parallel_loop3A_548 = arith.constant 1 : i32
        %parallel_loop3A_549 = arith.index_cast %parallel_loop3A_548 : i32 to index
        %parallel_loop3A_550 = arith.index_cast %parallel_loop3A_461 : i32 to index
        %parallel_loop3A_551 = arith.constant 16 : index
        %parallel_loop3A_552 = tpu.vector_load %arg9[%parallel_loop3A_549, %parallel_loop3A_550, %parallel_loop3A_551] {strides = array<i32>} : memref<2x200x64xf32, #tpu.memory_space<vmem>>, vector<1x1x16xf32>,
        %parallel_loop3A_553 = vector.shape_cast %parallel_loop3A_552 : vector<1x1x16xf32> to vector<16xf32>
        %parallel_loop3A_554 = arith.constant 1 : i32
        %parallel_loop3A_555 = arith.index_cast %parallel_loop3A_554 : i32 to index
        %parallel_loop3A_556 = arith.index_cast %parallel_loop3A_461 : i32 to index
        %parallel_loop3A_557 = arith.constant 32 : index
        %parallel_loop3A_558 = tpu.vector_load %arg9[%parallel_loop3A_555, %parallel_loop3A_556, %parallel_loop3A_557] {strides = array<i32>} : memref<2x200x64xf32, #tpu.memory_space<vmem>>, vector<1x1x16xf32>,
        %parallel_loop3A_559 = vector.shape_cast %parallel_loop3A_558 : vector<1x1x16xf32> to vector<16xf32>
        %parallel_loop3A_560 = arith.constant 1 : i32
        %parallel_loop3A_561 = arith.index_cast %parallel_loop3A_560 : i32 to index
        %parallel_loop3A_562 = arith.index_cast %parallel_loop3A_461 : i32 to index
        %parallel_loop3A_563 = arith.constant 48 : index
        %parallel_loop3A_564 = tpu.vector_load %arg9[%parallel_loop3A_561, %parallel_loop3A_562, %parallel_loop3A_563] {strides = array<i32>} : memref<2x200x64xf32, #tpu.memory_space<vmem>>, vector<1x1x16xf32>,
        %parallel_loop3A_565 = vector.shape_cast %parallel_loop3A_564 : vector<1x1x16xf32> to vector<16xf32>
        %parallel_loop3A_566 = arith.mulf %parallel_loop3A_547, %parallel_loop3A_465 : vector<16xf32>
        %parallel_loop3A_567 = arith.mulf %parallel_loop3A_559, %parallel_loop3A_473 : vector<16xf32>
        %parallel_loop3A_568 = arith.subf %parallel_loop3A_566, %parallel_loop3A_567 : vector<16xf32>
        %parallel_loop3A_569 = arith.constant 1 : i32
        %parallel_loop3A_570 = arith.index_cast %parallel_loop3A_569 : i32 to index
        %parallel_loop3A_571 = arith.index_cast %parallel_loop3A_461 : i32 to index
        %parallel_loop3A_572 = arith.constant 0 : index
        %parallel_loop3A_573 = tpu.vector_load %arg9[%parallel_loop3A_570, %parallel_loop3A_571, %parallel_loop3A_572] {strides = array<i32>} : memref<2x200x64xf32, #tpu.memory_space<vmem>>, vector<1x1x16xf32>,
        %parallel_loop3A_574 = vector.shape_cast %parallel_loop3A_573 : vector<1x1x16xf32> to vector<16xf32>
        %parallel_loop3A_575 = vector.shape_cast %parallel_loop3A_568 : vector<16xf32> to vector<1x1x16xf32>
        tpu.vector_store %arg9[%parallel_loop3A_570, %parallel_loop3A_571, %parallel_loop3A_572], %parallel_loop3A_575 {strides = array<i32>} : memref<2x200x64xf32, #tpu.memory_space<vmem>>, vector<1x1x16xf32>,
        %parallel_loop3A_576 = arith.mulf %parallel_loop3A_553, %parallel_loop3A_469 : vector<16xf32>
        %parallel_loop3A_577 = arith.mulf %parallel_loop3A_565, %parallel_loop3A_477 : vector<16xf32>
        %parallel_loop3A_578 = arith.subf %parallel_loop3A_576, %parallel_loop3A_577 : vector<16xf32>
        %parallel_loop3A_579 = arith.constant 1 : i32
        %parallel_loop3A_580 = arith.index_cast %parallel_loop3A_579 : i32 to index
        %parallel_loop3A_581 = arith.index_cast %parallel_loop3A_461 : i32 to index
        %parallel_loop3A_582 = arith.constant 16 : index
        %parallel_loop3A_583 = tpu.vector_load %arg9[%parallel_loop3A_580, %parallel_loop3A_581, %parallel_loop3A_582] {strides = array<i32>} : memref<2x200x64xf32, #tpu.memory_space<vmem>>, vector<1x1x16xf32>,
        %parallel_loop3A_584 = vector.shape_cast %parallel_loop3A_583 : vector<1x1x16xf32> to vector<16xf32>
        %parallel_loop3A_585 = vector.shape_cast %parallel_loop3A_578 : vector<16xf32> to vector<1x1x16xf32>
        tpu.vector_store %arg9[%parallel_loop3A_580, %parallel_loop3A_581, %parallel_loop3A_582], %parallel_loop3A_585 {strides = array<i32>} : memref<2x200x64xf32, #tpu.memory_space<vmem>>, vector<1x1x16xf32>,
        %parallel_loop3A_586 = arith.mulf %parallel_loop3A_547, %parallel_loop3A_473 : vector<16xf32>
        %parallel_loop3A_587 = arith.mulf %parallel_loop3A_559, %parallel_loop3A_465 : vector<16xf32>
        %parallel_loop3A_588 = arith.addf %parallel_loop3A_586, %parallel_loop3A_587 : vector<16xf32>
        %parallel_loop3A_589 = arith.constant 1 : i32
        %parallel_loop3A_590 = arith.index_cast %parallel_loop3A_589 : i32 to index
        %parallel_loop3A_591 = arith.index_cast %parallel_loop3A_461 : i32 to index
        %parallel_loop3A_592 = arith.constant 32 : index
        %parallel_loop3A_593 = tpu.vector_load %arg9[%parallel_loop3A_590, %parallel_loop3A_591, %parallel_loop3A_592] {strides = array<i32>} : memref<2x200x64xf32, #tpu.memory_space<vmem>>, vector<1x1x16xf32>,
        %parallel_loop3A_594 = vector.shape_cast %parallel_loop3A_593 : vector<1x1x16xf32> to vector<16xf32>
        %parallel_loop3A_595 = vector.shape_cast %parallel_loop3A_588 : vector<16xf32> to vector<1x1x16xf32>
        tpu.vector_store %arg9[%parallel_loop3A_590, %parallel_loop3A_591, %parallel_loop3A_592], %parallel_loop3A_595 {strides = array<i32>} : memref<2x200x64xf32, #tpu.memory_space<vmem>>, vector<1x1x16xf32>,
        %parallel_loop3A_596 = arith.mulf %parallel_loop3A_553, %parallel_loop3A_477 : vector<16xf32>
        %parallel_loop3A_597 = arith.mulf %parallel_loop3A_565, %parallel_loop3A_469 : vector<16xf32>
        %parallel_loop3A_598 = arith.addf %parallel_loop3A_596, %parallel_loop3A_597 : vector<16xf32>
        %parallel_loop3A_599 = arith.constant 1 : i32
        %parallel_loop3A_600 = arith.index_cast %parallel_loop3A_599 : i32 to index
        %parallel_loop3A_601 = arith.index_cast %parallel_loop3A_461 : i32 to index
        %parallel_loop3A_602 = arith.constant 48 : index
        %parallel_loop3A_603 = tpu.vector_load %arg9[%parallel_loop3A_600, %parallel_loop3A_601, %parallel_loop3A_602] {strides = array<i32>} : memref<2x200x64xf32, #tpu.memory_space<vmem>>, vector<1x1x16xf32>,
        %parallel_loop3A_604 = vector.shape_cast %parallel_loop3A_603 : vector<1x1x16xf32> to vector<16xf32>
        %parallel_loop3A_605 = vector.shape_cast %parallel_loop3A_598 : vector<16xf32> to vector<1x1x16xf32>
        tpu.vector_store %arg9[%parallel_loop3A_600, %parallel_loop3A_601, %parallel_loop3A_602], %parallel_loop3A_605 {strides = array<i32>} : memref<2x200x64xf32, #tpu.memory_space<vmem>>, vector<1x1x16xf32>,
      } {sc.loop_unroll_factor = 2 : i64, sc.parallel_access}
      %add3A_311 = arith.constant 2 : i32
      %add3A_312 = arith.addi %add3A_11, %add3A_311 : i32
      %dma_start3A_313 = arith.constant 0 : i32
      %dma_start3A_314 = arith.constant 0 : i32
      %dma_start3A_315 = tpu.memref_slice %arg5[%add3A_312, %dma_start3A_313, %dma_start3A_314] : memref<4096x200x64xf32, #tpu.memory_space<hbm>> -> memref<2x200x64xf32, #tpu.memory_space<hbm>>
      %dma_start3A_316 = arith.constant 0 : i32
      %dma_start3A_317 = arith.constant 0 : i32
      %dma_start3A_318 = tpu.memref_slice %arg5[%add3A_312, %dma_start3A_316, %dma_start3A_317] : memref<4096x200x64xf32, #tpu.memory_space<hbm>> -> memref<2x200x64xf32, #tpu.memory_space<hbm>>
      tpu.enqueue_dma source(%arg9 : memref<2x200x64xf32, #tpu.memory_space<vmem>>) target(%dma_start3A_318 : memref<2x200x64xf32, #tpu.memory_space<hbm>>) target_semaphore(%arg17 : memref<!tpu.dma_semaphore, #tpu.memory_space<semaphore_mem>>)
      %dma_wait3A_319 = arith.constant 4 : i32
      %dma_wait3A_320 = arith.constant 0 : i32
      %dma_wait3A_321 = arith.constant 0 : i32
      %dma_wait3A_322 = arith.constant 0 : i32
      %dma_wait3A_323 = tpu.memref_slice %arg10[%dma_wait3A_320, %dma_wait3A_321, %dma_wait3A_322] : memref<2x200x64xf32, #tpu.memory_space<vmem>> -> memref<1x104x64xf32, #tpu.memory_space<vmem>>
      %dma_wait3A_324 = tpu.memref_squeeze %dma_wait3A_323 : memref<1x104x64xf32, #tpu.memory_space<vmem>> -> memref<104x64xf32, #tpu.memory_space<vmem>>
      %dma_wait3A_325 = arith.constant 0 : i32
      %dma_wait3A_326 = tpu.memref_slice %arg6[%dma_wait3A_319, %dma_wait3A_325] : memref<8x200xi32, #tpu.memory_space<vmem>> -> memref<1x104xi32, #tpu.memory_space<vmem>>
      %dma_wait3A_327 = tpu.memref_squeeze %dma_wait3A_326 : memref<1x104xi32, #tpu.memory_space<vmem>> -> memref<104xi32, #tpu.memory_space<vmem>>
      %dma_wait3A_328 = arith.constant 0 : i32
      %dma_wait3A_329 = arith.constant 0 : i32
      %dma_wait3A_330 = tpu.memref_slice %arg4[%dma_wait3A_328, %dma_wait3A_329] : memref<1000000x64xf32, #tpu.memory_space<hbm>> -> memref<1000000x64xf32, #tpu.memory_space<hbm>>
      tpu.wait_indirect_dma semaphore(%arg14 : memref<!tpu.dma_semaphore, #tpu.memory_space<semaphore_mem>>) src(%dma_wait3A_330 : memref<1000000x64xf32, #tpu.memory_space<hbm>>) dst(%dma_wait3A_324 : memref<104x64xf32, #tpu.memory_space<vmem>>)
      %dma_wait3A_331 = arith.constant 4 : i32
      %dma_wait3A_332 = arith.constant 0 : i32
      %dma_wait3A_333 = arith.constant 104 : i32
      %dma_wait3A_334 = arith.constant 0 : i32
      %dma_wait3A_335 = tpu.memref_slice %arg10[%dma_wait3A_332, %dma_wait3A_333, %dma_wait3A_334] : memref<2x200x64xf32, #tpu.memory_space<vmem>> -> memref<1x96x64xf32, #tpu.memory_space<vmem>>
      %dma_wait3A_336 = tpu.memref_squeeze %dma_wait3A_335 : memref<1x96x64xf32, #tpu.memory_space<vmem>> -> memref<96x64xf32, #tpu.memory_space<vmem>>
      %dma_wait3A_337 = arith.constant 104 : i32
      %dma_wait3A_338 = tpu.memref_slice %arg6[%dma_wait3A_331, %dma_wait3A_337] : memref<8x200xi32, #tpu.memory_space<vmem>> -> memref<1x96xi32, #tpu.memory_space<vmem>>
      %dma_wait3A_339 = tpu.memref_squeeze %dma_wait3A_338 : memref<1x96xi32, #tpu.memory_space<vmem>> -> memref<96xi32, #tpu.memory_space<vmem>>
      %dma_wait3A_340 = arith.constant 0 : i32
      %dma_wait3A_341 = arith.constant 0 : i32
      %dma_wait3A_342 = tpu.memref_slice %arg4[%dma_wait3A_340, %dma_wait3A_341] : memref<1000000x64xf32, #tpu.memory_space<hbm>> -> memref<1000000x64xf32, #tpu.memory_space<hbm>>
      tpu.wait_indirect_dma semaphore(%arg14 : memref<!tpu.dma_semaphore, #tpu.memory_space<semaphore_mem>>) src(%dma_wait3A_342 : memref<1000000x64xf32, #tpu.memory_space<hbm>>) dst(%dma_wait3A_336 : memref<96x64xf32, #tpu.memory_space<vmem>>)
      %dma_wait3A_343 = arith.constant 5 : i32
      %dma_wait3A_344 = arith.constant 1 : i32
      %dma_wait3A_345 = arith.constant 0 : i32
      %dma_wait3A_346 = arith.constant 0 : i32
      %dma_wait3A_347 = tpu.memref_slice %arg10[%dma_wait3A_344, %dma_wait3A_345, %dma_wait3A_346] : memref<2x200x64xf32, #tpu.memory_space<vmem>> -> memref<1x104x64xf32, #tpu.memory_space<vmem>>
      %dma_wait3A_348 = tpu.memref_squeeze %dma_wait3A_347 : memref<1x104x64xf32, #tpu.memory_space<vmem>> -> memref<104x64xf32, #tpu.memory_space<vmem>>
      %dma_wait3A_349 = arith.constant 0 : i32
      %dma_wait3A_350 = tpu.memref_slice %arg6[%dma_wait3A_343, %dma_wait3A_349] : memref<8x200xi32, #tpu.memory_space<vmem>> -> memref<1x104xi32, #tpu.memory_space<vmem>>
      %dma_wait3A_351 = tpu.memref_squeeze %dma_wait3A_350 : memref<1x104xi32, #tpu.memory_space<vmem>> -> memref<104xi32, #tpu.memory_space<vmem>>
      %dma_wait3A_352 = arith.constant 0 : i32
      %dma_wait3A_353 = arith.constant 0 : i32
      %dma_wait3A_354 = tpu.memref_slice %arg4[%dma_wait3A_352, %dma_wait3A_353] : memref<1000000x64xf32, #tpu.memory_space<hbm>> -> memref<1000000x64xf32, #tpu.memory_space<hbm>>
      tpu.wait_indirect_dma semaphore(%arg14 : memref<!tpu.dma_semaphore, #tpu.memory_space<semaphore_mem>>) src(%dma_wait3A_354 : memref<1000000x64xf32, #tpu.memory_space<hbm>>) dst(%dma_wait3A_348 : memref<104x64xf32, #tpu.memory_space<vmem>>)
      %dma_wait3A_355 = arith.constant 5 : i32
      %dma_wait3A_356 = arith.constant 1 : i32
      %dma_wait3A_357 = arith.constant 104 : i32
      %dma_wait3A_358 = arith.constant 0 : i32
      %dma_wait3A_359 = tpu.memref_slice %arg10[%dma_wait3A_356, %dma_wait3A_357, %dma_wait3A_358] : memref<2x200x64xf32, #tpu.memory_space<vmem>> -> memref<1x96x64xf32, #tpu.memory_space<vmem>>
      %dma_wait3A_360 = tpu.memref_squeeze %dma_wait3A_359 : memref<1x96x64xf32, #tpu.memory_space<vmem>> -> memref<96x64xf32, #tpu.memory_space<vmem>>
      %dma_wait3A_361 = arith.constant 104 : i32
      %dma_wait3A_362 = tpu.memref_slice %arg6[%dma_wait3A_355, %dma_wait3A_361] : memref<8x200xi32, #tpu.memory_space<vmem>> -> memref<1x96xi32, #tpu.memory_space<vmem>>
      %dma_wait3A_363 = tpu.memref_squeeze %dma_wait3A_362 : memref<1x96xi32, #tpu.memory_space<vmem>> -> memref<96xi32, #tpu.memory_space<vmem>>
      %dma_wait3A_364 = arith.constant 0 : i32
      %dma_wait3A_365 = arith.constant 0 : i32
      %dma_wait3A_366 = tpu.memref_slice %arg4[%dma_wait3A_364, %dma_wait3A_365] : memref<1000000x64xf32, #tpu.memory_space<hbm>> -> memref<1000000x64xf32, #tpu.memory_space<hbm>>
      tpu.wait_indirect_dma semaphore(%arg14 : memref<!tpu.dma_semaphore, #tpu.memory_space<semaphore_mem>>) src(%dma_wait3A_366 : memref<1000000x64xf32, #tpu.memory_space<hbm>>) dst(%dma_wait3A_360 : memref<96x64xf32, #tpu.memory_space<vmem>>)
      %parallel_loop3A_367 = arith.constant 0 : i32
      %parallel_loop3A_368 = arith.constant 200 : i32
      %parallel_loop3A_369 = arith.constant 1 : i32
      scf.for %parallel_loop3A_461 = %parallel_loop3A_367 to %parallel_loop3A_368 step %parallel_loop3A_369  : i32 {
        %parallel_loop3A_462 = arith.index_cast %parallel_loop3A_461 : i32 to index
        %parallel_loop3A_463 = arith.constant 0 : index
        %parallel_loop3A_464 = tpu.vector_load %arg7[%parallel_loop3A_462, %parallel_loop3A_463] {strides = array<i32>} : memref<200x64xf32, #tpu.memory_space<vmem>>, vector<1x16xf32>,
        %parallel_loop3A_465 = vector.shape_cast %parallel_loop3A_464 : vector<1x16xf32> to vector<16xf32>
        %parallel_loop3A_466 = arith.index_cast %parallel_loop3A_461 : i32 to index
        %parallel_loop3A_467 = arith.constant 16 : index
        %parallel_loop3A_468 = tpu.vector_load %arg7[%parallel_loop3A_466, %parallel_loop3A_467] {strides = array<i32>} : memref<200x64xf32, #tpu.memory_space<vmem>>, vector<1x16xf32>,
        %parallel_loop3A_469 = vector.shape_cast %parallel_loop3A_468 : vector<1x16xf32> to vector<16xf32>
        %parallel_loop3A_470 = arith.index_cast %parallel_loop3A_461 : i32 to index
        %parallel_loop3A_471 = arith.constant 32 : index
        %parallel_loop3A_472 = tpu.vector_load %arg7[%parallel_loop3A_470, %parallel_loop3A_471] {strides = array<i32>} : memref<200x64xf32, #tpu.memory_space<vmem>>, vector<1x16xf32>,
        %parallel_loop3A_473 = vector.shape_cast %parallel_loop3A_472 : vector<1x16xf32> to vector<16xf32>
        %parallel_loop3A_474 = arith.index_cast %parallel_loop3A_461 : i32 to index
        %parallel_loop3A_475 = arith.constant 48 : index
        %parallel_loop3A_476 = tpu.vector_load %arg7[%parallel_loop3A_474, %parallel_loop3A_475] {strides = array<i32>} : memref<200x64xf32, #tpu.memory_space<vmem>>, vector<1x16xf32>,
        %parallel_loop3A_477 = vector.shape_cast %parallel_loop3A_476 : vector<1x16xf32> to vector<16xf32>
        %parallel_loop3A_478 = arith.constant 0 : i32
        %parallel_loop3A_479 = arith.index_cast %parallel_loop3A_478 : i32 to index
        %parallel_loop3A_480 = arith.index_cast %parallel_loop3A_461 : i32 to index
        %parallel_loop3A_481 = arith.constant 0 : index
        %parallel_loop3A_482 = tpu.vector_load %arg10[%parallel_loop3A_479, %parallel_loop3A_480, %parallel_loop3A_481] {strides = array<i32>} : memref<2x200x64xf32, #tpu.memory_space<vmem>>, vector<1x1x16xf32>,
        %parallel_loop3A_483 = vector.shape_cast %parallel_loop3A_482 : vector<1x1x16xf32> to vector<16xf32>
        %parallel_loop3A_484 = arith.constant 0 : i32
        %parallel_loop3A_485 = arith.index_cast %parallel_loop3A_484 : i32 to index
        %parallel_loop3A_486 = arith.index_cast %parallel_loop3A_461 : i32 to index
        %parallel_loop3A_487 = arith.constant 16 : index
        %parallel_loop3A_488 = tpu.vector_load %arg10[%parallel_loop3A_485, %parallel_loop3A_486, %parallel_loop3A_487] {strides = array<i32>} : memref<2x200x64xf32, #tpu.memory_space<vmem>>, vector<1x1x16xf32>,
        %parallel_loop3A_489 = vector.shape_cast %parallel_loop3A_488 : vector<1x1x16xf32> to vector<16xf32>
        %parallel_loop3A_490 = arith.constant 0 : i32
        %parallel_loop3A_491 = arith.index_cast %parallel_loop3A_490 : i32 to index
        %parallel_loop3A_492 = arith.index_cast %parallel_loop3A_461 : i32 to index
        %parallel_loop3A_493 = arith.constant 32 : index
        %parallel_loop3A_494 = tpu.vector_load %arg10[%parallel_loop3A_491, %parallel_loop3A_492, %parallel_loop3A_493] {strides = array<i32>} : memref<2x200x64xf32, #tpu.memory_space<vmem>>, vector<1x1x16xf32>,
        %parallel_loop3A_495 = vector.shape_cast %parallel_loop3A_494 : vector<1x1x16xf32> to vector<16xf32>
        %parallel_loop3A_496 = arith.constant 0 : i32
        %parallel_loop3A_497 = arith.index_cast %parallel_loop3A_496 : i32 to index
        %parallel_loop3A_498 = arith.index_cast %parallel_loop3A_461 : i32 to index
        %parallel_loop3A_499 = arith.constant 48 : index
        %parallel_loop3A_500 = tpu.vector_load %arg10[%parallel_loop3A_497, %parallel_loop3A_498, %parallel_loop3A_499] {strides = array<i32>} : memref<2x200x64xf32, #tpu.memory_space<vmem>>, vector<1x1x16xf32>,
        %parallel_loop3A_501 = vector.shape_cast %parallel_loop3A_500 : vector<1x1x16xf32> to vector<16xf32>
        %parallel_loop3A_502 = arith.mulf %parallel_loop3A_483, %parallel_loop3A_465 : vector<16xf32>
        %parallel_loop3A_503 = arith.mulf %parallel_loop3A_495, %parallel_loop3A_473 : vector<16xf32>
        %parallel_loop3A_504 = arith.subf %parallel_loop3A_502, %parallel_loop3A_503 : vector<16xf32>
        %parallel_loop3A_505 = arith.constant 0 : i32
        %parallel_loop3A_506 = arith.index_cast %parallel_loop3A_505 : i32 to index
        %parallel_loop3A_507 = arith.index_cast %parallel_loop3A_461 : i32 to index
        %parallel_loop3A_508 = arith.constant 0 : index
        %parallel_loop3A_509 = tpu.vector_load %arg10[%parallel_loop3A_506, %parallel_loop3A_507, %parallel_loop3A_508] {strides = array<i32>} : memref<2x200x64xf32, #tpu.memory_space<vmem>>, vector<1x1x16xf32>,
        %parallel_loop3A_510 = vector.shape_cast %parallel_loop3A_509 : vector<1x1x16xf32> to vector<16xf32>
        %parallel_loop3A_511 = vector.shape_cast %parallel_loop3A_504 : vector<16xf32> to vector<1x1x16xf32>
        tpu.vector_store %arg10[%parallel_loop3A_506, %parallel_loop3A_507, %parallel_loop3A_508], %parallel_loop3A_511 {strides = array<i32>} : memref<2x200x64xf32, #tpu.memory_space<vmem>>, vector<1x1x16xf32>,
        %parallel_loop3A_512 = arith.mulf %parallel_loop3A_489, %parallel_loop3A_469 : vector<16xf32>
        %parallel_loop3A_513 = arith.mulf %parallel_loop3A_501, %parallel_loop3A_477 : vector<16xf32>
        %parallel_loop3A_514 = arith.subf %parallel_loop3A_512, %parallel_loop3A_513 : vector<16xf32>
        %parallel_loop3A_515 = arith.constant 0 : i32
        %parallel_loop3A_516 = arith.index_cast %parallel_loop3A_515 : i32 to index
        %parallel_loop3A_517 = arith.index_cast %parallel_loop3A_461 : i32 to index
        %parallel_loop3A_518 = arith.constant 16 : index
        %parallel_loop3A_519 = tpu.vector_load %arg10[%parallel_loop3A_516, %parallel_loop3A_517, %parallel_loop3A_518] {strides = array<i32>} : memref<2x200x64xf32, #tpu.memory_space<vmem>>, vector<1x1x16xf32>,
        %parallel_loop3A_520 = vector.shape_cast %parallel_loop3A_519 : vector<1x1x16xf32> to vector<16xf32>
        %parallel_loop3A_521 = vector.shape_cast %parallel_loop3A_514 : vector<16xf32> to vector<1x1x16xf32>
        tpu.vector_store %arg10[%parallel_loop3A_516, %parallel_loop3A_517, %parallel_loop3A_518], %parallel_loop3A_521 {strides = array<i32>} : memref<2x200x64xf32, #tpu.memory_space<vmem>>, vector<1x1x16xf32>,
        %parallel_loop3A_522 = arith.mulf %parallel_loop3A_483, %parallel_loop3A_473 : vector<16xf32>
        %parallel_loop3A_523 = arith.mulf %parallel_loop3A_495, %parallel_loop3A_465 : vector<16xf32>
        %parallel_loop3A_524 = arith.addf %parallel_loop3A_522, %parallel_loop3A_523 : vector<16xf32>
        %parallel_loop3A_525 = arith.constant 0 : i32
        %parallel_loop3A_526 = arith.index_cast %parallel_loop3A_525 : i32 to index
        %parallel_loop3A_527 = arith.index_cast %parallel_loop3A_461 : i32 to index
        %parallel_loop3A_528 = arith.constant 32 : index
        %parallel_loop3A_529 = tpu.vector_load %arg10[%parallel_loop3A_526, %parallel_loop3A_527, %parallel_loop3A_528] {strides = array<i32>} : memref<2x200x64xf32, #tpu.memory_space<vmem>>, vector<1x1x16xf32>,
        %parallel_loop3A_530 = vector.shape_cast %parallel_loop3A_529 : vector<1x1x16xf32> to vector<16xf32>
        %parallel_loop3A_531 = vector.shape_cast %parallel_loop3A_524 : vector<16xf32> to vector<1x1x16xf32>
        tpu.vector_store %arg10[%parallel_loop3A_526, %parallel_loop3A_527, %parallel_loop3A_528], %parallel_loop3A_531 {strides = array<i32>} : memref<2x200x64xf32, #tpu.memory_space<vmem>>, vector<1x1x16xf32>,
        %parallel_loop3A_532 = arith.mulf %parallel_loop3A_489, %parallel_loop3A_477 : vector<16xf32>
        %parallel_loop3A_533 = arith.mulf %parallel_loop3A_501, %parallel_loop3A_469 : vector<16xf32>
        %parallel_loop3A_534 = arith.addf %parallel_loop3A_532, %parallel_loop3A_533 : vector<16xf32>
        %parallel_loop3A_535 = arith.constant 0 : i32
        %parallel_loop3A_536 = arith.index_cast %parallel_loop3A_535 : i32 to index
        %parallel_loop3A_537 = arith.index_cast %parallel_loop3A_461 : i32 to index
        %parallel_loop3A_538 = arith.constant 48 : index
        %parallel_loop3A_539 = tpu.vector_load %arg10[%parallel_loop3A_536, %parallel_loop3A_537, %parallel_loop3A_538] {strides = array<i32>} : memref<2x200x64xf32, #tpu.memory_space<vmem>>, vector<1x1x16xf32>,
        %parallel_loop3A_540 = vector.shape_cast %parallel_loop3A_539 : vector<1x1x16xf32> to vector<16xf32>
        %parallel_loop3A_541 = vector.shape_cast %parallel_loop3A_534 : vector<16xf32> to vector<1x1x16xf32>
        tpu.vector_store %arg10[%parallel_loop3A_536, %parallel_loop3A_537, %parallel_loop3A_538], %parallel_loop3A_541 {strides = array<i32>} : memref<2x200x64xf32, #tpu.memory_space<vmem>>, vector<1x1x16xf32>,
        %parallel_loop3A_542 = arith.constant 1 : i32
        %parallel_loop3A_543 = arith.index_cast %parallel_loop3A_542 : i32 to index
        %parallel_loop3A_544 = arith.index_cast %parallel_loop3A_461 : i32 to index
        %parallel_loop3A_545 = arith.constant 0 : index
        %parallel_loop3A_546 = tpu.vector_load %arg10[%parallel_loop3A_543, %parallel_loop3A_544, %parallel_loop3A_545] {strides = array<i32>} : memref<2x200x64xf32, #tpu.memory_space<vmem>>, vector<1x1x16xf32>,
        %parallel_loop3A_547 = vector.shape_cast %parallel_loop3A_546 : vector<1x1x16xf32> to vector<16xf32>
        %parallel_loop3A_548 = arith.constant 1 : i32
        %parallel_loop3A_549 = arith.index_cast %parallel_loop3A_548 : i32 to index
        %parallel_loop3A_550 = arith.index_cast %parallel_loop3A_461 : i32 to index
        %parallel_loop3A_551 = arith.constant 16 : index
        %parallel_loop3A_552 = tpu.vector_load %arg10[%parallel_loop3A_549, %parallel_loop3A_550, %parallel_loop3A_551] {strides = array<i32>} : memref<2x200x64xf32, #tpu.memory_space<vmem>>, vector<1x1x16xf32>,
        %parallel_loop3A_553 = vector.shape_cast %parallel_loop3A_552 : vector<1x1x16xf32> to vector<16xf32>
        %parallel_loop3A_554 = arith.constant 1 : i32
        %parallel_loop3A_555 = arith.index_cast %parallel_loop3A_554 : i32 to index
        %parallel_loop3A_556 = arith.index_cast %parallel_loop3A_461 : i32 to index
        %parallel_loop3A_557 = arith.constant 32 : index
        %parallel_loop3A_558 = tpu.vector_load %arg10[%parallel_loop3A_555, %parallel_loop3A_556, %parallel_loop3A_557] {strides = array<i32>} : memref<2x200x64xf32, #tpu.memory_space<vmem>>, vector<1x1x16xf32>,
        %parallel_loop3A_559 = vector.shape_cast %parallel_loop3A_558 : vector<1x1x16xf32> to vector<16xf32>
        %parallel_loop3A_560 = arith.constant 1 : i32
        %parallel_loop3A_561 = arith.index_cast %parallel_loop3A_560 : i32 to index
        %parallel_loop3A_562 = arith.index_cast %parallel_loop3A_461 : i32 to index
        %parallel_loop3A_563 = arith.constant 48 : index
        %parallel_loop3A_564 = tpu.vector_load %arg10[%parallel_loop3A_561, %parallel_loop3A_562, %parallel_loop3A_563] {strides = array<i32>} : memref<2x200x64xf32, #tpu.memory_space<vmem>>, vector<1x1x16xf32>,
        %parallel_loop3A_565 = vector.shape_cast %parallel_loop3A_564 : vector<1x1x16xf32> to vector<16xf32>
        %parallel_loop3A_566 = arith.mulf %parallel_loop3A_547, %parallel_loop3A_465 : vector<16xf32>
        %parallel_loop3A_567 = arith.mulf %parallel_loop3A_559, %parallel_loop3A_473 : vector<16xf32>
        %parallel_loop3A_568 = arith.subf %parallel_loop3A_566, %parallel_loop3A_567 : vector<16xf32>
        %parallel_loop3A_569 = arith.constant 1 : i32
        %parallel_loop3A_570 = arith.index_cast %parallel_loop3A_569 : i32 to index
        %parallel_loop3A_571 = arith.index_cast %parallel_loop3A_461 : i32 to index
        %parallel_loop3A_572 = arith.constant 0 : index
        %parallel_loop3A_573 = tpu.vector_load %arg10[%parallel_loop3A_570, %parallel_loop3A_571, %parallel_loop3A_572] {strides = array<i32>} : memref<2x200x64xf32, #tpu.memory_space<vmem>>, vector<1x1x16xf32>,
        %parallel_loop3A_574 = vector.shape_cast %parallel_loop3A_573 : vector<1x1x16xf32> to vector<16xf32>
        %parallel_loop3A_575 = vector.shape_cast %parallel_loop3A_568 : vector<16xf32> to vector<1x1x16xf32>
        tpu.vector_store %arg10[%parallel_loop3A_570, %parallel_loop3A_571, %parallel_loop3A_572], %parallel_loop3A_575 {strides = array<i32>} : memref<2x200x64xf32, #tpu.memory_space<vmem>>, vector<1x1x16xf32>,
        %parallel_loop3A_576 = arith.mulf %parallel_loop3A_553, %parallel_loop3A_469 : vector<16xf32>
        %parallel_loop3A_577 = arith.mulf %parallel_loop3A_565, %parallel_loop3A_477 : vector<16xf32>
        %parallel_loop3A_578 = arith.subf %parallel_loop3A_576, %parallel_loop3A_577 : vector<16xf32>
        %parallel_loop3A_579 = arith.constant 1 : i32
        %parallel_loop3A_580 = arith.index_cast %parallel_loop3A_579 : i32 to index
        %parallel_loop3A_581 = arith.index_cast %parallel_loop3A_461 : i32 to index
        %parallel_loop3A_582 = arith.constant 16 : index
        %parallel_loop3A_583 = tpu.vector_load %arg10[%parallel_loop3A_580, %parallel_loop3A_581, %parallel_loop3A_582] {strides = array<i32>} : memref<2x200x64xf32, #tpu.memory_space<vmem>>, vector<1x1x16xf32>,
        %parallel_loop3A_584 = vector.shape_cast %parallel_loop3A_583 : vector<1x1x16xf32> to vector<16xf32>
        %parallel_loop3A_585 = vector.shape_cast %parallel_loop3A_578 : vector<16xf32> to vector<1x1x16xf32>
        tpu.vector_store %arg10[%parallel_loop3A_580, %parallel_loop3A_581, %parallel_loop3A_582], %parallel_loop3A_585 {strides = array<i32>} : memref<2x200x64xf32, #tpu.memory_space<vmem>>, vector<1x1x16xf32>,
        %parallel_loop3A_586 = arith.mulf %parallel_loop3A_547, %parallel_loop3A_473 : vector<16xf32>
        %parallel_loop3A_587 = arith.mulf %parallel_loop3A_559, %parallel_loop3A_465 : vector<16xf32>
        %parallel_loop3A_588 = arith.addf %parallel_loop3A_586, %parallel_loop3A_587 : vector<16xf32>
        %parallel_loop3A_589 = arith.constant 1 : i32
        %parallel_loop3A_590 = arith.index_cast %parallel_loop3A_589 : i32 to index
        %parallel_loop3A_591 = arith.index_cast %parallel_loop3A_461 : i32 to index
        %parallel_loop3A_592 = arith.constant 32 : index
        %parallel_loop3A_593 = tpu.vector_load %arg10[%parallel_loop3A_590, %parallel_loop3A_591, %parallel_loop3A_592] {strides = array<i32>} : memref<2x200x64xf32, #tpu.memory_space<vmem>>, vector<1x1x16xf32>,
        %parallel_loop3A_594 = vector.shape_cast %parallel_loop3A_593 : vector<1x1x16xf32> to vector<16xf32>
        %parallel_loop3A_595 = vector.shape_cast %parallel_loop3A_588 : vector<16xf32> to vector<1x1x16xf32>
        tpu.vector_store %arg10[%parallel_loop3A_590, %parallel_loop3A_591, %parallel_loop3A_592], %parallel_loop3A_595 {strides = array<i32>} : memref<2x200x64xf32, #tpu.memory_space<vmem>>, vector<1x1x16xf32>,
        %parallel_loop3A_596 = arith.mulf %parallel_loop3A_553, %parallel_loop3A_477 : vector<16xf32>
        %parallel_loop3A_597 = arith.mulf %parallel_loop3A_565, %parallel_loop3A_469 : vector<16xf32>
        %parallel_loop3A_598 = arith.addf %parallel_loop3A_596, %parallel_loop3A_597 : vector<16xf32>
        %parallel_loop3A_599 = arith.constant 1 : i32
        %parallel_loop3A_600 = arith.index_cast %parallel_loop3A_599 : i32 to index
        %parallel_loop3A_601 = arith.index_cast %parallel_loop3A_461 : i32 to index
        %parallel_loop3A_602 = arith.constant 48 : index
        %parallel_loop3A_603 = tpu.vector_load %arg10[%parallel_loop3A_600, %parallel_loop3A_601, %parallel_loop3A_602] {strides = array<i32>} : memref<2x200x64xf32, #tpu.memory_space<vmem>>, vector<1x1x16xf32>,
        %parallel_loop3A_604 = vector.shape_cast %parallel_loop3A_603 : vector<1x1x16xf32> to vector<16xf32>
        %parallel_loop3A_605 = vector.shape_cast %parallel_loop3A_598 : vector<16xf32> to vector<1x1x16xf32>
        tpu.vector_store %arg10[%parallel_loop3A_600, %parallel_loop3A_601, %parallel_loop3A_602], %parallel_loop3A_605 {strides = array<i32>} : memref<2x200x64xf32, #tpu.memory_space<vmem>>, vector<1x1x16xf32>,
      } {sc.loop_unroll_factor = 2 : i64, sc.parallel_access}
      %add3A_370 = arith.constant 4 : i32
      %add3A_371 = arith.addi %add3A_11, %add3A_370 : i32
      %dma_start3A_372 = arith.constant 0 : i32
      %dma_start3A_373 = arith.constant 0 : i32
      %dma_start3A_374 = tpu.memref_slice %arg5[%add3A_371, %dma_start3A_372, %dma_start3A_373] : memref<4096x200x64xf32, #tpu.memory_space<hbm>> -> memref<2x200x64xf32, #tpu.memory_space<hbm>>
      %dma_start3A_375 = arith.constant 0 : i32
      %dma_start3A_376 = arith.constant 0 : i32
      %dma_start3A_377 = tpu.memref_slice %arg5[%add3A_371, %dma_start3A_375, %dma_start3A_376] : memref<4096x200x64xf32, #tpu.memory_space<hbm>> -> memref<2x200x64xf32, #tpu.memory_space<hbm>>
      tpu.enqueue_dma source(%arg10 : memref<2x200x64xf32, #tpu.memory_space<vmem>>) target(%dma_start3A_377 : memref<2x200x64xf32, #tpu.memory_space<hbm>>) target_semaphore(%arg18 : memref<!tpu.dma_semaphore, #tpu.memory_space<semaphore_mem>>)
      %dma_wait3A_378 = arith.constant 6 : i32
      %dma_wait3A_379 = arith.constant 0 : i32
      %dma_wait3A_380 = arith.constant 0 : i32
      %dma_wait3A_381 = arith.constant 0 : i32
      %dma_wait3A_382 = tpu.memref_slice %arg11[%dma_wait3A_379, %dma_wait3A_380, %dma_wait3A_381] : memref<2x200x64xf32, #tpu.memory_space<vmem>> -> memref<1x104x64xf32, #tpu.memory_space<vmem>>
      %dma_wait3A_383 = tpu.memref_squeeze %dma_wait3A_382 : memref<1x104x64xf32, #tpu.memory_space<vmem>> -> memref<104x64xf32, #tpu.memory_space<vmem>>
      %dma_wait3A_384 = arith.constant 0 : i32
      %dma_wait3A_385 = tpu.memref_slice %arg6[%dma_wait3A_378, %dma_wait3A_384] : memref<8x200xi32, #tpu.memory_space<vmem>> -> memref<1x104xi32, #tpu.memory_space<vmem>>
      %dma_wait3A_386 = tpu.memref_squeeze %dma_wait3A_385 : memref<1x104xi32, #tpu.memory_space<vmem>> -> memref<104xi32, #tpu.memory_space<vmem>>
      %dma_wait3A_387 = arith.constant 0 : i32
      %dma_wait3A_388 = arith.constant 0 : i32
      %dma_wait3A_389 = tpu.memref_slice %arg4[%dma_wait3A_387, %dma_wait3A_388] : memref<1000000x64xf32, #tpu.memory_space<hbm>> -> memref<1000000x64xf32, #tpu.memory_space<hbm>>
      tpu.wait_indirect_dma semaphore(%arg15 : memref<!tpu.dma_semaphore, #tpu.memory_space<semaphore_mem>>) src(%dma_wait3A_389 : memref<1000000x64xf32, #tpu.memory_space<hbm>>) dst(%dma_wait3A_383 : memref<104x64xf32, #tpu.memory_space<vmem>>)
      %dma_wait3A_390 = arith.constant 6 : i32
      %dma_wait3A_391 = arith.constant 0 : i32
      %dma_wait3A_392 = arith.constant 104 : i32
      %dma_wait3A_393 = arith.constant 0 : i32
      %dma_wait3A_394 = tpu.memref_slice %arg11[%dma_wait3A_391, %dma_wait3A_392, %dma_wait3A_393] : memref<2x200x64xf32, #tpu.memory_space<vmem>> -> memref<1x96x64xf32, #tpu.memory_space<vmem>>
      %dma_wait3A_395 = tpu.memref_squeeze %dma_wait3A_394 : memref<1x96x64xf32, #tpu.memory_space<vmem>> -> memref<96x64xf32, #tpu.memory_space<vmem>>
      %dma_wait3A_396 = arith.constant 104 : i32
      %dma_wait3A_397 = tpu.memref_slice %arg6[%dma_wait3A_390, %dma_wait3A_396] : memref<8x200xi32, #tpu.memory_space<vmem>> -> memref<1x96xi32, #tpu.memory_space<vmem>>
      %dma_wait3A_398 = tpu.memref_squeeze %dma_wait3A_397 : memref<1x96xi32, #tpu.memory_space<vmem>> -> memref<96xi32, #tpu.memory_space<vmem>>
      %dma_wait3A_399 = arith.constant 0 : i32
      %dma_wait3A_400 = arith.constant 0 : i32
      %dma_wait3A_401 = tpu.memref_slice %arg4[%dma_wait3A_399, %dma_wait3A_400] : memref<1000000x64xf32, #tpu.memory_space<hbm>> -> memref<1000000x64xf32, #tpu.memory_space<hbm>>
      tpu.wait_indirect_dma semaphore(%arg15 : memref<!tpu.dma_semaphore, #tpu.memory_space<semaphore_mem>>) src(%dma_wait3A_401 : memref<1000000x64xf32, #tpu.memory_space<hbm>>) dst(%dma_wait3A_395 : memref<96x64xf32, #tpu.memory_space<vmem>>)
      %dma_wait3A_402 = arith.constant 7 : i32
      %dma_wait3A_403 = arith.constant 1 : i32
      %dma_wait3A_404 = arith.constant 0 : i32
      %dma_wait3A_405 = arith.constant 0 : i32
      %dma_wait3A_406 = tpu.memref_slice %arg11[%dma_wait3A_403, %dma_wait3A_404, %dma_wait3A_405] : memref<2x200x64xf32, #tpu.memory_space<vmem>> -> memref<1x104x64xf32, #tpu.memory_space<vmem>>
      %dma_wait3A_407 = tpu.memref_squeeze %dma_wait3A_406 : memref<1x104x64xf32, #tpu.memory_space<vmem>> -> memref<104x64xf32, #tpu.memory_space<vmem>>
      %dma_wait3A_408 = arith.constant 0 : i32
      %dma_wait3A_409 = tpu.memref_slice %arg6[%dma_wait3A_402, %dma_wait3A_408] : memref<8x200xi32, #tpu.memory_space<vmem>> -> memref<1x104xi32, #tpu.memory_space<vmem>>
      %dma_wait3A_410 = tpu.memref_squeeze %dma_wait3A_409 : memref<1x104xi32, #tpu.memory_space<vmem>> -> memref<104xi32, #tpu.memory_space<vmem>>
      %dma_wait3A_411 = arith.constant 0 : i32
      %dma_wait3A_412 = arith.constant 0 : i32
      %dma_wait3A_413 = tpu.memref_slice %arg4[%dma_wait3A_411, %dma_wait3A_412] : memref<1000000x64xf32, #tpu.memory_space<hbm>> -> memref<1000000x64xf32, #tpu.memory_space<hbm>>
      tpu.wait_indirect_dma semaphore(%arg15 : memref<!tpu.dma_semaphore, #tpu.memory_space<semaphore_mem>>) src(%dma_wait3A_413 : memref<1000000x64xf32, #tpu.memory_space<hbm>>) dst(%dma_wait3A_407 : memref<104x64xf32, #tpu.memory_space<vmem>>)
      %dma_wait3A_414 = arith.constant 7 : i32
      %dma_wait3A_415 = arith.constant 1 : i32
      %dma_wait3A_416 = arith.constant 104 : i32
      %dma_wait3A_417 = arith.constant 0 : i32
      %dma_wait3A_418 = tpu.memref_slice %arg11[%dma_wait3A_415, %dma_wait3A_416, %dma_wait3A_417] : memref<2x200x64xf32, #tpu.memory_space<vmem>> -> memref<1x96x64xf32, #tpu.memory_space<vmem>>
      %dma_wait3A_419 = tpu.memref_squeeze %dma_wait3A_418 : memref<1x96x64xf32, #tpu.memory_space<vmem>> -> memref<96x64xf32, #tpu.memory_space<vmem>>
      %dma_wait3A_420 = arith.constant 104 : i32
      %dma_wait3A_421 = tpu.memref_slice %arg6[%dma_wait3A_414, %dma_wait3A_420] : memref<8x200xi32, #tpu.memory_space<vmem>> -> memref<1x96xi32, #tpu.memory_space<vmem>>
      %dma_wait3A_422 = tpu.memref_squeeze %dma_wait3A_421 : memref<1x96xi32, #tpu.memory_space<vmem>> -> memref<96xi32, #tpu.memory_space<vmem>>
      %dma_wait3A_423 = arith.constant 0 : i32
      %dma_wait3A_424 = arith.constant 0 : i32
      %dma_wait3A_425 = tpu.memref_slice %arg4[%dma_wait3A_423, %dma_wait3A_424] : memref<1000000x64xf32, #tpu.memory_space<hbm>> -> memref<1000000x64xf32, #tpu.memory_space<hbm>>
      tpu.wait_indirect_dma semaphore(%arg15 : memref<!tpu.dma_semaphore, #tpu.memory_space<semaphore_mem>>) src(%dma_wait3A_425 : memref<1000000x64xf32, #tpu.memory_space<hbm>>) dst(%dma_wait3A_419 : memref<96x64xf32, #tpu.memory_space<vmem>>)
      %parallel_loop3A_426 = arith.constant 0 : i32
      %parallel_loop3A_427 = arith.constant 200 : i32
      %parallel_loop3A_428 = arith.constant 1 : i32
      scf.for %parallel_loop3A_461 = %parallel_loop3A_426 to %parallel_loop3A_427 step %parallel_loop3A_428  : i32 {
        %parallel_loop3A_462 = arith.index_cast %parallel_loop3A_461 : i32 to index
        %parallel_loop3A_463 = arith.constant 0 : index
        %parallel_loop3A_464 = tpu.vector_load %arg7[%parallel_loop3A_462, %parallel_loop3A_463] {strides = array<i32>} : memref<200x64xf32, #tpu.memory_space<vmem>>, vector<1x16xf32>,
        %parallel_loop3A_465 = vector.shape_cast %parallel_loop3A_464 : vector<1x16xf32> to vector<16xf32>
        %parallel_loop3A_466 = arith.index_cast %parallel_loop3A_461 : i32 to index
        %parallel_loop3A_467 = arith.constant 16 : index
        %parallel_loop3A_468 = tpu.vector_load %arg7[%parallel_loop3A_466, %parallel_loop3A_467] {strides = array<i32>} : memref<200x64xf32, #tpu.memory_space<vmem>>, vector<1x16xf32>,
        %parallel_loop3A_469 = vector.shape_cast %parallel_loop3A_468 : vector<1x16xf32> to vector<16xf32>
        %parallel_loop3A_470 = arith.index_cast %parallel_loop3A_461 : i32 to index
        %parallel_loop3A_471 = arith.constant 32 : index
        %parallel_loop3A_472 = tpu.vector_load %arg7[%parallel_loop3A_470, %parallel_loop3A_471] {strides = array<i32>} : memref<200x64xf32, #tpu.memory_space<vmem>>, vector<1x16xf32>,
        %parallel_loop3A_473 = vector.shape_cast %parallel_loop3A_472 : vector<1x16xf32> to vector<16xf32>
        %parallel_loop3A_474 = arith.index_cast %parallel_loop3A_461 : i32 to index
        %parallel_loop3A_475 = arith.constant 48 : index
        %parallel_loop3A_476 = tpu.vector_load %arg7[%parallel_loop3A_474, %parallel_loop3A_475] {strides = array<i32>} : memref<200x64xf32, #tpu.memory_space<vmem>>, vector<1x16xf32>,
        %parallel_loop3A_477 = vector.shape_cast %parallel_loop3A_476 : vector<1x16xf32> to vector<16xf32>
        %parallel_loop3A_478 = arith.constant 0 : i32
        %parallel_loop3A_479 = arith.index_cast %parallel_loop3A_478 : i32 to index
        %parallel_loop3A_480 = arith.index_cast %parallel_loop3A_461 : i32 to index
        %parallel_loop3A_481 = arith.constant 0 : index
        %parallel_loop3A_482 = tpu.vector_load %arg11[%parallel_loop3A_479, %parallel_loop3A_480, %parallel_loop3A_481] {strides = array<i32>} : memref<2x200x64xf32, #tpu.memory_space<vmem>>, vector<1x1x16xf32>,
        %parallel_loop3A_483 = vector.shape_cast %parallel_loop3A_482 : vector<1x1x16xf32> to vector<16xf32>
        %parallel_loop3A_484 = arith.constant 0 : i32
        %parallel_loop3A_485 = arith.index_cast %parallel_loop3A_484 : i32 to index
        %parallel_loop3A_486 = arith.index_cast %parallel_loop3A_461 : i32 to index
        %parallel_loop3A_487 = arith.constant 16 : index
        %parallel_loop3A_488 = tpu.vector_load %arg11[%parallel_loop3A_485, %parallel_loop3A_486, %parallel_loop3A_487] {strides = array<i32>} : memref<2x200x64xf32, #tpu.memory_space<vmem>>, vector<1x1x16xf32>,
        %parallel_loop3A_489 = vector.shape_cast %parallel_loop3A_488 : vector<1x1x16xf32> to vector<16xf32>
        %parallel_loop3A_490 = arith.constant 0 : i32
        %parallel_loop3A_491 = arith.index_cast %parallel_loop3A_490 : i32 to index
        %parallel_loop3A_492 = arith.index_cast %parallel_loop3A_461 : i32 to index
        %parallel_loop3A_493 = arith.constant 32 : index
        %parallel_loop3A_494 = tpu.vector_load %arg11[%parallel_loop3A_491, %parallel_loop3A_492, %parallel_loop3A_493] {strides = array<i32>} : memref<2x200x64xf32, #tpu.memory_space<vmem>>, vector<1x1x16xf32>,
        %parallel_loop3A_495 = vector.shape_cast %parallel_loop3A_494 : vector<1x1x16xf32> to vector<16xf32>
        %parallel_loop3A_496 = arith.constant 0 : i32
        %parallel_loop3A_497 = arith.index_cast %parallel_loop3A_496 : i32 to index
        %parallel_loop3A_498 = arith.index_cast %parallel_loop3A_461 : i32 to index
        %parallel_loop3A_499 = arith.constant 48 : index
        %parallel_loop3A_500 = tpu.vector_load %arg11[%parallel_loop3A_497, %parallel_loop3A_498, %parallel_loop3A_499] {strides = array<i32>} : memref<2x200x64xf32, #tpu.memory_space<vmem>>, vector<1x1x16xf32>,
        %parallel_loop3A_501 = vector.shape_cast %parallel_loop3A_500 : vector<1x1x16xf32> to vector<16xf32>
        %parallel_loop3A_502 = arith.mulf %parallel_loop3A_483, %parallel_loop3A_465 : vector<16xf32>
        %parallel_loop3A_503 = arith.mulf %parallel_loop3A_495, %parallel_loop3A_473 : vector<16xf32>
        %parallel_loop3A_504 = arith.subf %parallel_loop3A_502, %parallel_loop3A_503 : vector<16xf32>
        %parallel_loop3A_505 = arith.constant 0 : i32
        %parallel_loop3A_506 = arith.index_cast %parallel_loop3A_505 : i32 to index
        %parallel_loop3A_507 = arith.index_cast %parallel_loop3A_461 : i32 to index
        %parallel_loop3A_508 = arith.constant 0 : index
        %parallel_loop3A_509 = tpu.vector_load %arg11[%parallel_loop3A_506, %parallel_loop3A_507, %parallel_loop3A_508] {strides = array<i32>} : memref<2x200x64xf32, #tpu.memory_space<vmem>>, vector<1x1x16xf32>,
        %parallel_loop3A_510 = vector.shape_cast %parallel_loop3A_509 : vector<1x1x16xf32> to vector<16xf32>
        %parallel_loop3A_511 = vector.shape_cast %parallel_loop3A_504 : vector<16xf32> to vector<1x1x16xf32>
        tpu.vector_store %arg11[%parallel_loop3A_506, %parallel_loop3A_507, %parallel_loop3A_508], %parallel_loop3A_511 {strides = array<i32>} : memref<2x200x64xf32, #tpu.memory_space<vmem>>, vector<1x1x16xf32>,
        %parallel_loop3A_512 = arith.mulf %parallel_loop3A_489, %parallel_loop3A_469 : vector<16xf32>
        %parallel_loop3A_513 = arith.mulf %parallel_loop3A_501, %parallel_loop3A_477 : vector<16xf32>
        %parallel_loop3A_514 = arith.subf %parallel_loop3A_512, %parallel_loop3A_513 : vector<16xf32>
        %parallel_loop3A_515 = arith.constant 0 : i32
        %parallel_loop3A_516 = arith.index_cast %parallel_loop3A_515 : i32 to index
        %parallel_loop3A_517 = arith.index_cast %parallel_loop3A_461 : i32 to index
        %parallel_loop3A_518 = arith.constant 16 : index
        %parallel_loop3A_519 = tpu.vector_load %arg11[%parallel_loop3A_516, %parallel_loop3A_517, %parallel_loop3A_518] {strides = array<i32>} : memref<2x200x64xf32, #tpu.memory_space<vmem>>, vector<1x1x16xf32>,
        %parallel_loop3A_520 = vector.shape_cast %parallel_loop3A_519 : vector<1x1x16xf32> to vector<16xf32>
        %parallel_loop3A_521 = vector.shape_cast %parallel_loop3A_514 : vector<16xf32> to vector<1x1x16xf32>
        tpu.vector_store %arg11[%parallel_loop3A_516, %parallel_loop3A_517, %parallel_loop3A_518], %parallel_loop3A_521 {strides = array<i32>} : memref<2x200x64xf32, #tpu.memory_space<vmem>>, vector<1x1x16xf32>,
        %parallel_loop3A_522 = arith.mulf %parallel_loop3A_483, %parallel_loop3A_473 : vector<16xf32>
        %parallel_loop3A_523 = arith.mulf %parallel_loop3A_495, %parallel_loop3A_465 : vector<16xf32>
        %parallel_loop3A_524 = arith.addf %parallel_loop3A_522, %parallel_loop3A_523 : vector<16xf32>
        %parallel_loop3A_525 = arith.constant 0 : i32
        %parallel_loop3A_526 = arith.index_cast %parallel_loop3A_525 : i32 to index
        %parallel_loop3A_527 = arith.index_cast %parallel_loop3A_461 : i32 to index
        %parallel_loop3A_528 = arith.constant 32 : index
        %parallel_loop3A_529 = tpu.vector_load %arg11[%parallel_loop3A_526, %parallel_loop3A_527, %parallel_loop3A_528] {strides = array<i32>} : memref<2x200x64xf32, #tpu.memory_space<vmem>>, vector<1x1x16xf32>,
        %parallel_loop3A_530 = vector.shape_cast %parallel_loop3A_529 : vector<1x1x16xf32> to vector<16xf32>
        %parallel_loop3A_531 = vector.shape_cast %parallel_loop3A_524 : vector<16xf32> to vector<1x1x16xf32>
        tpu.vector_store %arg11[%parallel_loop3A_526, %parallel_loop3A_527, %parallel_loop3A_528], %parallel_loop3A_531 {strides = array<i32>} : memref<2x200x64xf32, #tpu.memory_space<vmem>>, vector<1x1x16xf32>,
        %parallel_loop3A_532 = arith.mulf %parallel_loop3A_489, %parallel_loop3A_477 : vector<16xf32>
        %parallel_loop3A_533 = arith.mulf %parallel_loop3A_501, %parallel_loop3A_469 : vector<16xf32>
        %parallel_loop3A_534 = arith.addf %parallel_loop3A_532, %parallel_loop3A_533 : vector<16xf32>
        %parallel_loop3A_535 = arith.constant 0 : i32
        %parallel_loop3A_536 = arith.index_cast %parallel_loop3A_535 : i32 to index
        %parallel_loop3A_537 = arith.index_cast %parallel_loop3A_461 : i32 to index
        %parallel_loop3A_538 = arith.constant 48 : index
        %parallel_loop3A_539 = tpu.vector_load %arg11[%parallel_loop3A_536, %parallel_loop3A_537, %parallel_loop3A_538] {strides = array<i32>} : memref<2x200x64xf32, #tpu.memory_space<vmem>>, vector<1x1x16xf32>,
        %parallel_loop3A_540 = vector.shape_cast %parallel_loop3A_539 : vector<1x1x16xf32> to vector<16xf32>
        %parallel_loop3A_541 = vector.shape_cast %parallel_loop3A_534 : vector<16xf32> to vector<1x1x16xf32>
        tpu.vector_store %arg11[%parallel_loop3A_536, %parallel_loop3A_537, %parallel_loop3A_538], %parallel_loop3A_541 {strides = array<i32>} : memref<2x200x64xf32, #tpu.memory_space<vmem>>, vector<1x1x16xf32>,
        %parallel_loop3A_542 = arith.constant 1 : i32
        %parallel_loop3A_543 = arith.index_cast %parallel_loop3A_542 : i32 to index
        %parallel_loop3A_544 = arith.index_cast %parallel_loop3A_461 : i32 to index
        %parallel_loop3A_545 = arith.constant 0 : index
        %parallel_loop3A_546 = tpu.vector_load %arg11[%parallel_loop3A_543, %parallel_loop3A_544, %parallel_loop3A_545] {strides = array<i32>} : memref<2x200x64xf32, #tpu.memory_space<vmem>>, vector<1x1x16xf32>,
        %parallel_loop3A_547 = vector.shape_cast %parallel_loop3A_546 : vector<1x1x16xf32> to vector<16xf32>
        %parallel_loop3A_548 = arith.constant 1 : i32
        %parallel_loop3A_549 = arith.index_cast %parallel_loop3A_548 : i32 to index
        %parallel_loop3A_550 = arith.index_cast %parallel_loop3A_461 : i32 to index
        %parallel_loop3A_551 = arith.constant 16 : index
        %parallel_loop3A_552 = tpu.vector_load %arg11[%parallel_loop3A_549, %parallel_loop3A_550, %parallel_loop3A_551] {strides = array<i32>} : memref<2x200x64xf32, #tpu.memory_space<vmem>>, vector<1x1x16xf32>,
        %parallel_loop3A_553 = vector.shape_cast %parallel_loop3A_552 : vector<1x1x16xf32> to vector<16xf32>
        %parallel_loop3A_554 = arith.constant 1 : i32
        %parallel_loop3A_555 = arith.index_cast %parallel_loop3A_554 : i32 to index
        %parallel_loop3A_556 = arith.index_cast %parallel_loop3A_461 : i32 to index
        %parallel_loop3A_557 = arith.constant 32 : index
        %parallel_loop3A_558 = tpu.vector_load %arg11[%parallel_loop3A_555, %parallel_loop3A_556, %parallel_loop3A_557] {strides = array<i32>} : memref<2x200x64xf32, #tpu.memory_space<vmem>>, vector<1x1x16xf32>,
        %parallel_loop3A_559 = vector.shape_cast %parallel_loop3A_558 : vector<1x1x16xf32> to vector<16xf32>
        %parallel_loop3A_560 = arith.constant 1 : i32
        %parallel_loop3A_561 = arith.index_cast %parallel_loop3A_560 : i32 to index
        %parallel_loop3A_562 = arith.index_cast %parallel_loop3A_461 : i32 to index
        %parallel_loop3A_563 = arith.constant 48 : index
        %parallel_loop3A_564 = tpu.vector_load %arg11[%parallel_loop3A_561, %parallel_loop3A_562, %parallel_loop3A_563] {strides = array<i32>} : memref<2x200x64xf32, #tpu.memory_space<vmem>>, vector<1x1x16xf32>,
        %parallel_loop3A_565 = vector.shape_cast %parallel_loop3A_564 : vector<1x1x16xf32> to vector<16xf32>
        %parallel_loop3A_566 = arith.mulf %parallel_loop3A_547, %parallel_loop3A_465 : vector<16xf32>
        %parallel_loop3A_567 = arith.mulf %parallel_loop3A_559, %parallel_loop3A_473 : vector<16xf32>
        %parallel_loop3A_568 = arith.subf %parallel_loop3A_566, %parallel_loop3A_567 : vector<16xf32>
        %parallel_loop3A_569 = arith.constant 1 : i32
        %parallel_loop3A_570 = arith.index_cast %parallel_loop3A_569 : i32 to index
        %parallel_loop3A_571 = arith.index_cast %parallel_loop3A_461 : i32 to index
        %parallel_loop3A_572 = arith.constant 0 : index
        %parallel_loop3A_573 = tpu.vector_load %arg11[%parallel_loop3A_570, %parallel_loop3A_571, %parallel_loop3A_572] {strides = array<i32>} : memref<2x200x64xf32, #tpu.memory_space<vmem>>, vector<1x1x16xf32>,
        %parallel_loop3A_574 = vector.shape_cast %parallel_loop3A_573 : vector<1x1x16xf32> to vector<16xf32>
        %parallel_loop3A_575 = vector.shape_cast %parallel_loop3A_568 : vector<16xf32> to vector<1x1x16xf32>
        tpu.vector_store %arg11[%parallel_loop3A_570, %parallel_loop3A_571, %parallel_loop3A_572], %parallel_loop3A_575 {strides = array<i32>} : memref<2x200x64xf32, #tpu.memory_space<vmem>>, vector<1x1x16xf32>,
        %parallel_loop3A_576 = arith.mulf %parallel_loop3A_553, %parallel_loop3A_469 : vector<16xf32>
        %parallel_loop3A_577 = arith.mulf %parallel_loop3A_565, %parallel_loop3A_477 : vector<16xf32>
        %parallel_loop3A_578 = arith.subf %parallel_loop3A_576, %parallel_loop3A_577 : vector<16xf32>
        %parallel_loop3A_579 = arith.constant 1 : i32
        %parallel_loop3A_580 = arith.index_cast %parallel_loop3A_579 : i32 to index
        %parallel_loop3A_581 = arith.index_cast %parallel_loop3A_461 : i32 to index
        %parallel_loop3A_582 = arith.constant 16 : index
        %parallel_loop3A_583 = tpu.vector_load %arg11[%parallel_loop3A_580, %parallel_loop3A_581, %parallel_loop3A_582] {strides = array<i32>} : memref<2x200x64xf32, #tpu.memory_space<vmem>>, vector<1x1x16xf32>,
        %parallel_loop3A_584 = vector.shape_cast %parallel_loop3A_583 : vector<1x1x16xf32> to vector<16xf32>
        %parallel_loop3A_585 = vector.shape_cast %parallel_loop3A_578 : vector<16xf32> to vector<1x1x16xf32>
        tpu.vector_store %arg11[%parallel_loop3A_580, %parallel_loop3A_581, %parallel_loop3A_582], %parallel_loop3A_585 {strides = array<i32>} : memref<2x200x64xf32, #tpu.memory_space<vmem>>, vector<1x1x16xf32>,
        %parallel_loop3A_586 = arith.mulf %parallel_loop3A_547, %parallel_loop3A_473 : vector<16xf32>
        %parallel_loop3A_587 = arith.mulf %parallel_loop3A_559, %parallel_loop3A_465 : vector<16xf32>
        %parallel_loop3A_588 = arith.addf %parallel_loop3A_586, %parallel_loop3A_587 : vector<16xf32>
        %parallel_loop3A_589 = arith.constant 1 : i32
        %parallel_loop3A_590 = arith.index_cast %parallel_loop3A_589 : i32 to index
        %parallel_loop3A_591 = arith.index_cast %parallel_loop3A_461 : i32 to index
        %parallel_loop3A_592 = arith.constant 32 : index
        %parallel_loop3A_593 = tpu.vector_load %arg11[%parallel_loop3A_590, %parallel_loop3A_591, %parallel_loop3A_592] {strides = array<i32>} : memref<2x200x64xf32, #tpu.memory_space<vmem>>, vector<1x1x16xf32>,
        %parallel_loop3A_594 = vector.shape_cast %parallel_loop3A_593 : vector<1x1x16xf32> to vector<16xf32>
        %parallel_loop3A_595 = vector.shape_cast %parallel_loop3A_588 : vector<16xf32> to vector<1x1x16xf32>
        tpu.vector_store %arg11[%parallel_loop3A_590, %parallel_loop3A_591, %parallel_loop3A_592], %parallel_loop3A_595 {strides = array<i32>} : memref<2x200x64xf32, #tpu.memory_space<vmem>>, vector<1x1x16xf32>,
        %parallel_loop3A_596 = arith.mulf %parallel_loop3A_553, %parallel_loop3A_477 : vector<16xf32>
        %parallel_loop3A_597 = arith.mulf %parallel_loop3A_565, %parallel_loop3A_469 : vector<16xf32>
        %parallel_loop3A_598 = arith.addf %parallel_loop3A_596, %parallel_loop3A_597 : vector<16xf32>
        %parallel_loop3A_599 = arith.constant 1 : i32
        %parallel_loop3A_600 = arith.index_cast %parallel_loop3A_599 : i32 to index
        %parallel_loop3A_601 = arith.index_cast %parallel_loop3A_461 : i32 to index
        %parallel_loop3A_602 = arith.constant 48 : index
        %parallel_loop3A_603 = tpu.vector_load %arg11[%parallel_loop3A_600, %parallel_loop3A_601, %parallel_loop3A_602] {strides = array<i32>} : memref<2x200x64xf32, #tpu.memory_space<vmem>>, vector<1x1x16xf32>,
        %parallel_loop3A_604 = vector.shape_cast %parallel_loop3A_603 : vector<1x1x16xf32> to vector<16xf32>
        %parallel_loop3A_605 = vector.shape_cast %parallel_loop3A_598 : vector<16xf32> to vector<1x1x16xf32>
        tpu.vector_store %arg11[%parallel_loop3A_600, %parallel_loop3A_601, %parallel_loop3A_602], %parallel_loop3A_605 {strides = array<i32>} : memref<2x200x64xf32, #tpu.memory_space<vmem>>, vector<1x1x16xf32>,
      } {sc.loop_unroll_factor = 2 : i64, sc.parallel_access}
      %add3A_429 = arith.constant 6 : i32
      %add3A_430 = arith.addi %add3A_11, %add3A_429 : i32
      %dma_start3A_431 = arith.constant 0 : i32
      %dma_start3A_432 = arith.constant 0 : i32
      %dma_start3A_433 = tpu.memref_slice %arg5[%add3A_430, %dma_start3A_431, %dma_start3A_432] : memref<4096x200x64xf32, #tpu.memory_space<hbm>> -> memref<2x200x64xf32, #tpu.memory_space<hbm>>
      %dma_start3A_434 = arith.constant 0 : i32
      %dma_start3A_435 = arith.constant 0 : i32
      %dma_start3A_436 = tpu.memref_slice %arg5[%add3A_430, %dma_start3A_434, %dma_start3A_435] : memref<4096x200x64xf32, #tpu.memory_space<hbm>> -> memref<2x200x64xf32, #tpu.memory_space<hbm>>
      tpu.enqueue_dma source(%arg11 : memref<2x200x64xf32, #tpu.memory_space<vmem>>) target(%dma_start3A_436 : memref<2x200x64xf32, #tpu.memory_space<hbm>>) target_semaphore(%arg19 : memref<!tpu.dma_semaphore, #tpu.memory_space<semaphore_mem>>)
      %dma_wait3A_437 = arith.constant 0 : i32
      %dma_wait3A_438 = arith.constant 0 : i32
      %dma_wait3A_439 = tpu.memref_slice %arg5[%add3A_253, %dma_wait3A_437, %dma_wait3A_438] : memref<4096x200x64xf32, #tpu.memory_space<hbm>> -> memref<2x200x64xf32, #tpu.memory_space<hbm>>
      %dma_wait3A_440 = arith.constant 0 : i32
      %dma_wait3A_441 = arith.constant 0 : i32
      %dma_wait3A_442 = tpu.memref_slice %arg5[%add3A_253, %dma_wait3A_440, %dma_wait3A_441] : memref<4096x200x64xf32, #tpu.memory_space<hbm>> -> memref<2x200x64xf32, #tpu.memory_space<hbm>>
      tpu.wait_dma2 semaphore(%arg16 : memref<!tpu.dma_semaphore, #tpu.memory_space<semaphore_mem>>) src(%arg8 : memref<2x200x64xf32, #tpu.memory_space<vmem>>) dst(%dma_wait3A_442 : memref<2x200x64xf32, #tpu.memory_space<hbm>>)
      %dma_wait3A_443 = arith.constant 0 : i32
      %dma_wait3A_444 = arith.constant 0 : i32
      %dma_wait3A_445 = tpu.memref_slice %arg5[%add3A_312, %dma_wait3A_443, %dma_wait3A_444] : memref<4096x200x64xf32, #tpu.memory_space<hbm>> -> memref<2x200x64xf32, #tpu.memory_space<hbm>>
      %dma_wait3A_446 = arith.constant 0 : i32
      %dma_wait3A_447 = arith.constant 0 : i32
      %dma_wait3A_448 = tpu.memref_slice %arg5[%add3A_312, %dma_wait3A_446, %dma_wait3A_447] : memref<4096x200x64xf32, #tpu.memory_space<hbm>> -> memref<2x200x64xf32, #tpu.memory_space<hbm>>
      tpu.wait_dma2 semaphore(%arg17 : memref<!tpu.dma_semaphore, #tpu.memory_space<semaphore_mem>>) src(%arg9 : memref<2x200x64xf32, #tpu.memory_space<vmem>>) dst(%dma_wait3A_448 : memref<2x200x64xf32, #tpu.memory_space<hbm>>)
      %dma_wait3A_449 = arith.constant 0 : i32
      %dma_wait3A_450 = arith.constant 0 : i32
      %dma_wait3A_451 = tpu.memref_slice %arg5[%add3A_371, %dma_wait3A_449, %dma_wait3A_450] : memref<4096x200x64xf32, #tpu.memory_space<hbm>> -> memref<2x200x64xf32, #tpu.memory_space<hbm>>
      %dma_wait3A_452 = arith.constant 0 : i32
      %dma_wait3A_453 = arith.constant 0 : i32
      %dma_wait3A_454 = tpu.memref_slice %arg5[%add3A_371, %dma_wait3A_452, %dma_wait3A_453] : memref<4096x200x64xf32, #tpu.memory_space<hbm>> -> memref<2x200x64xf32, #tpu.memory_space<hbm>>
      tpu.wait_dma2 semaphore(%arg18 : memref<!tpu.dma_semaphore, #tpu.memory_space<semaphore_mem>>) src(%arg10 : memref<2x200x64xf32, #tpu.memory_space<vmem>>) dst(%dma_wait3A_454 : memref<2x200x64xf32, #tpu.memory_space<hbm>>)
      %dma_wait3A_455 = arith.constant 0 : i32
      %dma_wait3A_456 = arith.constant 0 : i32
      %dma_wait3A_457 = tpu.memref_slice %arg5[%add3A_430, %dma_wait3A_455, %dma_wait3A_456] : memref<4096x200x64xf32, #tpu.memory_space<hbm>> -> memref<2x200x64xf32, #tpu.memory_space<hbm>>
      %dma_wait3A_458 = arith.constant 0 : i32
      %dma_wait3A_459 = arith.constant 0 : i32
      %dma_wait3A_460 = tpu.memref_slice %arg5[%add3A_430, %dma_wait3A_458, %dma_wait3A_459] : memref<4096x200x64xf32, #tpu.memory_space<hbm>> -> memref<2x200x64xf32, #tpu.memory_space<hbm>>
      tpu.wait_dma2 semaphore(%arg19 : memref<!tpu.dma_semaphore, #tpu.memory_space<semaphore_mem>>) src(%arg11 : memref<2x200x64xf32, #tpu.memory_space<vmem>>) dst(%dma_wait3A_460 : memref<2x200x64xf32, #tpu.memory_space<hbm>>)
    }
    %scan3A_5 = arith.constant 16 : i32
    return
  }
}

</mosaic_0001>

<sc_bundles>
// kernel: _sc_call.3.cloned.1.call-start
scs
__scs_entry_jumppad:
0x0: {  	(pc) =	sbr.rel $0x88, $3  }
0x1: {  	(tag) =	ssettag $0x0;
	lr =	simm.s32 $0x1  }
0x2: {  	[smem:$0x3F9E] =	sst lr;
	_ =	strace $0xD0000000  }
0x3: {  	_ = 	snop  }
0x4: {  	_ = 	snop  }
0x5: {  	_ = 	snop  }
0x6: {  	_ = 	snop  }
0x7: {  	_ = 	snop  }
__scs_overlays_trampoline_lowered:
0x8: {  	[smem:$0x3FAD] =	sst s0  }
0x9: {  	[smem:$0x3FAE] =	sst s1  }
0xa: {  	[smem:$0x3FAF] =	sst s2  }
0xb: {  	[smem:$0x3FB0] =	sst s3  }
0xc: {  	[smem:$0x3FB1] =	sst s4  }
0xd: {  	[smem:$0x3FB2] =	sst s5  }
0xe: {  	[smem:$0x3FB3] =	sst s6  }
0xf: {  	[smem:$0x3FB4] =	sst s7  }
0x10: {  	[smem:$0x3FB5] =	sst s8  }
0x11: {  	[smem:$0x3FB6] =	sst s9;
	s0 =	simm.s32 @!p0 $0x0  }
0x12: {  	s1 =	sld [smem:$0x3F9C];
	s0 =	simm.s32 @p0 $0x1  }
0x13: {  	[smem:$0x3FB7] =	sst s0;
	s0 =	simm.s32 @!p1 $0x0  }
0x14: {  	s2 =	sld [smem:$0x3F9B];
	s0 =	simm.s32 @p1 $0x1  }
0x15: {  	[smem:$0x3FB8] =	sst s0;
	s0 =	simm.s32 @!p2 $0x0  }
0x16: {  	s3 =	sld [smem:$0x3FDB];
	s0 =	simm.s32 @p2 $0x1  }
0x17: {  	s4 =	simm.s32 $0x1BF5;
	[smem:$0x3FBA] =	sst s0  }
0x18: {  	s0 =	sld [smem:$0x3F9D];
	_ =	swait.ge [sflag:s4], $0x0  }
0x19: {  	s7 =	sld [smem:$0x3F9E]  }
0x1a: {  	s8 =	sadd.s32 $0xFFFFE003, lr  }
0x1b: {  	s9 =	sadd.s32 $0xFFFFFEF7, lr;
	s5 =	simm.s32 $0xFFFFFFFF;
	p2 =	slt.u32 s8, $0xFFFFF086  }
0x1c: {  	p1 =	slt.u32 s9, $0xF7A;
	s5 =	simm.s32 @!p2 $0x0  }
0x1d: {  	s5 =	simm.s32 @p1 $0x1;
	p0 =	seq.s32 s7, s2  }
0x1e: {  	s7 =	smul.u32 @!p0 $0xF7A, s2;
	p2 =	seq.s32 @!p0 s5, $0x0  }
0x1f: {  	s9 =	smul.u32 $0xF7A, s1;
	s8 =	simm.s32 @!p0 $0x1BF5;
	p2 =	por !p2, p0  }
0x20: {  	[sflag:s8] =	ssyncset.s32 @!p0 $0xFFFFF086;
	s6 =	sadd.s32 @!p0 s3, s7;
	s7 =	simm.s32 @!p0 $0x108  }
0x21: {  	s3 =	sadd.s32 s3, s9;
	s6 =	sadd.s32 @!p0 $0x88, s6;
	s7 =	simm.s32 @p2 $0x1082  }
0x22: {  	[simem:s7], [sflag:s8] =	dma.local @!p0 [hbm:s6], $0xF7A  }
0x23: {  	s9 =	sor.u32 $0xD0000000, s2;
	s6 =	simm.s32 $0x108;
	_ =	swait.ge @!p0 [sflag:s8], $0x0  }
0x24: {  	s3 =	sadd.s32 $0x88, s3;
	s6 =	simm.s32 @!p1 $0x1082;
	[sflag:s4] =	ssyncset.s32 $0xFFFFF086  }
0x25: {  	[simem:s6], [sflag:s4] =	dma.local [hbm:s3], $0xF7A  }
0x26: {  	[smem:$0x3F9E] =	sst s1;
	(tag) =	ssettag s2;
	_ =	strace s9  }
0x27: {  	s1 =	sld [smem:$0x3FAE]  }
0x28: {  	s2 =	sld [smem:$0x3FAF]  }
0x29: {  	s4 =	sld [smem:$0x3FB1]  }
0x2a: {  	p0 =	seq.s32 s5, $0x0;
	s5 =	sld [smem:$0x3FB2]  }
0x2b: {  	s6 =	sld [smem:$0x3FB3]  }
0x2c: {  	s7 =	sld [smem:$0x3FB4]  }
0x2d: {  	s3 =	simm.s32 $0x108;
	s8 =	sld [smem:$0x3FB5]  }
0x2e: {  	s3 =	simm.s32 @!p0 $0x1082;
	s9 =	sld [smem:$0x3FB6]  }
0x2f: {  	lr =	sadd.s32 s0, s3;
	s0 =	sld [smem:$0x3FAD]  }
0x30: {  	s3 =	sld [smem:$0x3FB0]  }
0x31: {  	[smem:$0x3FB9] =	sst s10  }
0x32: {  	s10 =	sld [smem:$0x3FB7];
	_ =	sdelay $0x3  }
0x33: {  	p0 =	seq.s32 s10, $0x1;
	s10 =	sld [smem:$0x3FB9];
	_ =	sdelay $0x3  }
0x34: {  	[smem:$0x3FB9] =	sst s10  }
0x35: {  	s10 =	sld [smem:$0x3FB8];
	_ =	sdelay $0x3  }
0x36: {  	p1 =	seq.s32 s10, $0x1;
	s10 =	sld [smem:$0x3FB9];
	_ =	sdelay $0x3  }
0x37: {  	[smem:$0x3FB9] =	sst s10  }
0x38: {  	s10 =	sld [smem:$0x3FBA]  }
0x39: {  	_ = 	snop;
	(pc) =	sbr.ind lr, $3  }
0x3a: {  	_ = 	snop  }
0x3b: {  	_ = 	snop  }
0x3c: {  	p2 =	seq.s32 s10, $0x1;
	s10 =	sld [smem:$0x3FB9]  }
0x3d: {  	_ =	shalt  }
0x3e: {  	_ =	shalt  }
0x3f: {  	_ =	shalt  }
0x40: {  	_ =	shalt  }
0x41: {  	_ =	shalt  }
0x42: {  	_ =	shalt  }
0x43: {  	_ =	shalt  }
0x44: {  	_ =	shalt  }
0x45: {  	_ =	shalt  }
0x46: {  	_ =	shalt  }
0x47: {  	_ =	shalt  }
0x48: {  	_ =	shalt  }
0x49: {  	_ =	shalt  }
0x4a: {  	_ =	shalt  }
0x4b: {  	_ =	shalt  }
0x4c: {  	_ =	shalt  }
0x4d: {  	_ =	shalt  }
0x4e: {  	_ =	shalt  }
0x4f: {  	_ =	shalt  }
0x50: {  	_ =	shalt  }
0x51: {  	_ =	shalt  }
0x52: {  	_ =	shalt  }
0x53: {  	_ =	shalt  }
0x54: {  	_ =	shalt  }
0x55: {  	_ =	shalt  }
0x56: {  	_ =	shalt  }
0x57: {  	_ =	shalt  }
0x58: {  	_ =	shalt  }
0x59: {  	_ =	shalt  }
0x5a: {  	_ =	shalt  }
0x5b: {  	_ =	shalt  }
0x5c: {  	_ =	shalt  }
0x5d: {  	_ =	shalt  }
0x5e: {  	_ =	shalt  }
0x5f: {  	_ =	shalt  }
0x60: {  	_ =	shalt  }
0x61: {  	_ =	shalt  }
0x62: {  	_ =	shalt  }
0x63: {  	_ =	shalt  }
0x64: {  	_ =	shalt  }
0x65: {  	_ =	shalt  }
0x66: {  	_ =	shalt  }
0x67: {  	_ =	shalt  }
0x68: {  	_ =	shalt  }
0x69: {  	_ =	shalt  }
0x6a: {  	_ =	shalt  }
0x6b: {  	_ =	shalt  }
0x6c: {  	_ =	shalt  }
0x6d: {  	_ =	shalt  }
0x6e: {  	_ =	shalt  }
0x6f: {  	_ =	shalt  }
0x70: {  	_ =	shalt  }
0x71: {  	_ =	shalt  }
0x72: {  	_ =	shalt  }
0x73: {  	_ =	shalt  }
0x74: {  	_ =	shalt  }
0x75: {  	_ =	shalt  }
0x76: {  	_ =	shalt  }
0x77: {  	_ =	shalt  }
0x78: {  	_ =	shalt  }
0x79: {  	_ =	shalt  }
0x7a: {  	_ =	shalt  }
0x7b: {  	_ =	shalt  }
0x7c: {  	_ =	shalt  }
0x7d: {  	_ =	shalt  }
0x7e: {  	_ =	shalt  }
0x7f: {  	_ =	shalt  }
0x80: {  	_ =	shalt  }
0x81: {  	_ =	shalt  }
0x82: {  	_ =	shalt  }
0x83: {  	_ =	shalt  }
0x84: {  	_ =	shalt  }
0x85: {  	_ =	shalt  }
0x86: {  	_ =	shalt  }
0x87: {  	_ =	shalt  }
.Lfunc_end0:
.L_simem_size_0:
called_computation.1_lowered:
.L_overlay_start_0:
0x88: {  	s2 =	sld [smem:$0x3FD9]  }
0x89: {  	s3 =	sld [smem:$0x3FFE];
	_ =	sdelay $0x1  }
0x8a: {  	s1 =	srdreg.scid  }
0x8b: {  	s0 =	sand.u32 $0x1, s1  }
0x8c: {  	s17 =	sshll.u32 s0, $0xA;
	s2 =	sadd.s32 s3, s2  }
0x8d: {  	s2 =	sadd.s32 s2, s17  }
0x8e: {  	[smem:$0x3FC5] =	sst s2  }
0x8f: {  	_ = 	snop  }
0x90: {  	s2 =	sld [smem:$0x3FD0];
	(tm) =	ssettm $0x1  }
0x91: {  	s18 =	sld [smem:$0x3FFB];
	_ =	sdelay $0x3  }
0x92: {  	_ =	strace s18  }
0x93: {  	s3 =	sld [smem:$0x3FFC];
	_ =	sdelay $0x3  }
0x94: {  	_ =	strace s3  }
0x95: {  	s3 =	sld [smem:$0x3FFD];
	_ =	sdelay $0x3  }
0x96: {  	_ =	strace s3  }
0x97: {  	_ =	strace $0x8FFFFFFF  }
0x98: {  	s19 =	sld [smem:$0x3FDB];
	_ =	sdelay $0x1  }
0x99: {  	s4 =	simm.s32 $_scs_section_size  }
0x9a: {  	s5 =	simm.s32 $_size__tile_overlayer_lowered;
	s6 =	simm.s32 $_tile_overlayer_lowered  }
0x9b: {  	s22 =	simm.s32 $0x1BFF;
	s21 =	sshll.u32 s6, $0x1;
	s3 =	sadd.s32 s4, s19  }
0x9c: {  	s7 =	simm.s32 $0x0;
	s20 =	sshll.u32 s5, $0x1;
	s5 =	sadd.s32 s21, s3  }
0x9d: {  	[timem:s7], [sflag:s22] =	dma.local [hbm:s5], s20  }
0x9e: {  	_ =	swait.ge [sflag:s22], s20  }
0x9f: {  	s4 =	ssub.s32 $0x0, s20;
	[sflag:s22] =	ssyncset.done $0x0  }
0xa0: {  	[sflag:s22] =	ssyncadd.s32 s4;
	_ =	sdelay $0x1  }
0xa1: {  	s23 =	simm.s32 $0x1B8B  }
0xa2: {  	_ =	swait.ge [sflag:s23], $0x1  }
0xa3: {  	[sflag:s23] =	ssyncset.done $0x0  }
0xa4: {  	s25 =	simm.s32 $0x1B8E;
	s24 =	sld [smem:$0x3FFE];
	[sflag:s23] =	ssyncadd.s32 $0xFFFFFFFF  }
0xa5: {  	s26 =	simm.s32 $execute0_lowered;
	[smem:$0x3FD2] =	sst s25  }
0xa6: {  	s5 =	sshll.u32 s26, $0x1;
	_ =	strace $0x80000046;
	[dreg:$0x1] =	wrdreg $0xFFFFFFFF  }
0xa7: {  	s28 =	simm.s32 $_size_execute0_lowered;
	s3 =	sadd.s32 s3, s5;
	[dreg:$0x0] =	wrdreg $0x0  }
0xa8: {  	s5 =	sshll.u32 s28, $0x1;
	[dreg:$0x2] =	wrdreg s3  }
0xa9: {  	[dreg:$0x3] =	wrdreg s5  }
0xaa: {  	[dreg:$0x4] =	wrdreg $0xC0  }
0xab: {  	_ =	task [dreg:s7], $0x5FFFF  }
0xac: {  	[dreg:$0x1] =	wrdreg $0xFFFFFFFF  }
0xad: {  	[dreg:$0x0] =	wrdreg $0x60  }
0xae: {  	[dreg:$0x2] =	wrdreg s24  }
0xaf: {  	[dreg:$0x3] =	wrdreg s2  }
0xb0: {  	[dreg:$0x4] =	wrdreg $0x9  }
0xb1: {  	_ =	task.clear_ibuf [dreg:s7], $0x5FFFF;
	_ =	strace $0x90000046  }
0xb2: {  	s29 =	simm.s32 $0x9;
	_ =	strace $0x80000048  }
0xb3: {  	_ =	swait.ge [sflag:s29], $0x1  }
0xb4: {  	[sflag:s29] =	ssyncadd.s32 $0xFFFFFFFF  }
0xb5: {  	_ =	strace $0x90000048  }
0xb6: {  	_ =	sfence  }
0xb7: {  	s30 =	sld [smem:$0x0];
	_ =	sdelay $0x2  }
0xb8: {  	s31 =	sshll.u32 s1, $0xD;
	s1 =	sshrl.u32 s1, $0x2  }
0xb9: {  	s3 =	sand.u32 $0x4000, s31;
	s1 =	sadd.s32 s1, s30  }
0xba: {  	s0 =	sor.u32 s3, s0;
	s1 =	sshll.u32 s1, $0x11  }
0xbb: {  	s0 =	sor.u32 s1, s0  }
0xbc: {  	s0 =	sadd.s32 $0x8F2B, s0  }
0xbd: {  	[sflag:s0] =	ssyncadd.remote.s32 $0x1  }
0xbe: {  	_ =	sfence.sel $0xFFFF  }
0xbf: {  	[dreg:$0x0] =	wrdreg $0xFFFFFFFF;
	(pc) =	sbr.abs _section_cstart, $3  }
0xc0: {  	[dreg:$0x1] =	wrdreg $0xFFFFFFFF  }
0xc1: {  	_ =	task.clear_ibuf [dreg:s7], $0x2FFFF;
	_ =	strace $0x9FFFFFFF  }
0xc2: {  	(tm) =	ssettm $0x7FFFFFFF  }
0xc3: {  	_ =	shalt  }
tec
execute0_lowered:
.L_overlay_start_1:
0x0: {  	(tag) =	ssettag $0x1  }
0x1: {  	s0 =	rddreg [dreg:$0x0]  }
0x2: {  	s1 =	rddreg [dreg:$0x1]  }
0x3: {  	s2 =	simm.s32 $0x0;
	s3 =	srdreg.scid;
	s7 =	stileid.u32  }
0x4: {  	s10 =	simm.s32 $0x9;
	s11 =	simm.s32 $0x68;
	s12 =	simm.s32 $0x3840  }
0x5: {  	s13 =	simm.s32 $0x60;
	s20 =	simm.s32 $0x9C40;
	s29 =	simm.s32 $0x10040  }
0x6: {  	s14 =	simm.s32 $0x16440;
	s16 =	simm.s32 $0x17E40;
	s17 =	simm.s32 $0x578  }
0x7: {  	s18 =	simm.s32 $0x19640;
	s19 =	simm.s32 $0x5E0;
	s21 =	simm.s32 $0x1B040  }
0x8: {  	s22 =	simm.s32 $0x1;
	s23 =	simm.s32 $0x2;
	s28 =	simm.s32 $0x6  }
0x9: {  	s30 =	simm.s32 $0x7;
	s31 =	simm.s32 $0x8;
	[smem:$0x7FF] =	sst s2  }
0xa: {  	s3 =	sand.u32 $0x1, s3;
	s4 =	sadd.s32 $0xC00, s0;
	s5 =	sadd.s32 $0x19C00, s0  }
0xb: {  	s6 =	sadd.s32 $0xF43000, s0;
	s26 =	sshll.u32 s7, $0x8;
	s24 =	ssub.s32 $0x2, s3  }
0xc: {  	_ =	strace $0x80000047;
	s3 =	sshll.u32 s3, $0x7;
	s25 =	sshrl.u32 s24, $0x1  }
0xd: {  	[dreg:$0x3] =	wrdreg s5;
	s7 =	sor.u32 s3, s26;
	s0 =	ssub.s32 s24, s25  }
0xe: {  	s26 =	simm.s32 $0x5;
	s3 =	simm.s32 $0x0;
	s0 =	smax.u32 s0, $0x1  }
0xf: {  	s24 =	simm.s32 $0x3;
	s25 =	simm.s32 $0x4;
	[dreg:$0x4] =	wrdreg s0  }
.LBB2_1:
0x10: {  	[dreg:$0x5] =	wrdreg s3  }
0x11: {  	s0 =	rddreg [dreg:$0x3];
	s15 =	simm.s32 $0x640  }
0x12: {  	[tilespmem:s15], [sflag:$0x9] =	stream.linear.gather [hbm4b:s0+s2], $0x3200, $0x38;
	[tilespmem:$0x1C840] =	vst v63  }
0x13: {  	_ =	swait.ge [sflag:s10], $0x3200  }
0x14: {  	[sflag:s10] =	ssyncset.done $0x0  }
0x15: {  	s0 =	simm.s32 $0x0;
	[sflag:s10] =	ssyncadd.s32 $0xFFFFCE00  }
.LBB2_2:
0x16: {  	s3 =	sshll.u32 s0, $0x3  }
0x17: {  	s3 =	sadd.s32 s7, s3  }
0x18: {  	s5 =	smul.u32 $0x19, s3;
	_ =	sdelay $0x1  }
0x19: {  	s5 =	sadd.s32 s4, s5  }
0x1a: {  	[tilespmem:s2], [sflag:$0x9] =	stream.linear.gather [hbm4b:s5+s2], $0x640, $0x38;
	[tilespmem:$0x1C840] =	vst v63  }
0x1b: {  	_ =	swait.ge [sflag:s10], $0x640  }
0x1c: {  	[sflag:s10] =	ssyncset.done $0x0  }
0x1d: {  	[sflag:s10] =	ssyncadd.s32 $0xFFFFF9C0  }
0x1e: {  	[tilespmem:s12], [sflag:$0x1] =	stream.indirect.gather [hbm4b:s6+s11], $0x40, s2, s11, $0xb8;
	[tilespmem:$0x1C840] =	vst v63  }
0x1f: {  	s9 =	simm.s32 $0x5240  }
0x20: {  	[tilespmem:s9], [sflag:$0x1] =	stream.indirect.gather [hbm4b:s6+s13], $0x40, s11, s13, $0xb8;
	[tilespmem:$0x1C840] =	vst v63  }
0x21: {  	s15 =	simm.s32 $0xC8;
	s8 =	simm.s32 $0x6A40  }
0x22: {  	[tilespmem:s8], [sflag:$0x1] =	stream.indirect.gather [hbm4b:s6+s11], $0x40, s15, s11, $0xb8;
	[tilespmem:$0x1C840] =	vst v63  }
0x23: {  	s9 =	simm.s32 $0x130;
	s15 =	simm.s32 $0x8440  }
0x24: {  	[tilespmem:s15], [sflag:$0x1] =	stream.indirect.gather [hbm4b:s6+s13], $0x40, s9, s13, $0xb8;
	[tilespmem:$0x1C840] =	vst v63  }
0x25: {  	s8 =	simm.s32 $0x190  }
0x26: {  	[tilespmem:s20], [sflag:$0x2] =	stream.indirect.gather [hbm4b:s6+s11], $0x40, s8, s11, $0xb8;
	[tilespmem:$0x1C840] =	vst v63  }
0x27: {  	s9 =	simm.s32 $0x1F8;
	s15 =	simm.s32 $0xB640  }
0x28: {  	[tilespmem:s15], [sflag:$0x2] =	stream.indirect.gather [hbm4b:s6+s13], $0x40, s9, s13, $0xb8;
	[tilespmem:$0x1C840] =	vst v63  }
0x29: {  	s9 =	simm.s32 $0x258;
	s15 =	simm.s32 $0xCE40  }
0x2a: {  	[tilespmem:s15], [sflag:$0x2] =	stream.indirect.gather [hbm4b:s6+s11], $0x40, s9, s11, $0xb8;
	[tilespmem:$0x1C840] =	vst v63  }
0x2b: {  	s9 =	simm.s32 $0x2C0;
	s15 =	simm.s32 $0xE840  }
0x2c: {  	[tilespmem:s15], [sflag:$0x2] =	stream.indirect.gather [hbm4b:s6+s13], $0x40, s9, s13, $0xb8;
	[tilespmem:$0x1C840] =	vst v63  }
0x2d: {  	s8 =	simm.s32 $0x320  }
0x2e: {  	[tilespmem:s29], [sflag:$0x3] =	stream.indirect.gather [hbm4b:s6+s11], $0x40, s8, s11, $0xb8;
	[tilespmem:$0x1C840] =	vst v63  }
0x2f: {  	s9 =	simm.s32 $0x388;
	s15 =	simm.s32 $0x11A40  }
0x30: {  	[tilespmem:s15], [sflag:$0x3] =	stream.indirect.gather [hbm4b:s6+s13], $0x40, s9, s13, $0xb8;
	[tilespmem:$0x1C840] =	vst v63  }
0x31: {  	s9 =	simm.s32 $0x3E8;
	s15 =	simm.s32 $0x13240  }
0x32: {  	[tilespmem:s15], [sflag:$0x3] =	stream.indirect.gather [hbm4b:s6+s11], $0x40, s9, s11, $0xb8;
	[tilespmem:$0x1C840] =	vst v63  }
0x33: {  	s9 =	simm.s32 $0x450;
	s15 =	simm.s32 $0x14C40  }
0x34: {  	[tilespmem:s15], [sflag:$0x3] =	stream.indirect.gather [hbm4b:s6+s13], $0x40, s9, s13, $0xb8;
	[tilespmem:$0x1C840] =	vst v63  }
0x35: {  	s8 =	simm.s32 $0x4B0  }
0x36: {  	[tilespmem:s14], [sflag:$0x4] =	stream.indirect.gather [hbm4b:s6+s11], $0x40, s8, s11, $0xb8;
	[tilespmem:$0x1C840] =	vst v63  }
0x37: {  	s9 =	simm.s32 $0x518  }
0x38: {  	[tilespmem:s16], [sflag:$0x4] =	stream.indirect.gather [hbm4b:s6+s13], $0x40, s9, s13, $0xb8;
	[tilespmem:$0x1C840] =	vst v63  }
0x39: {  	_ = 	snop  }
0x3a: {  	[tilespmem:s18], [sflag:$0x4] =	stream.indirect.gather [hbm4b:s6+s11], $0x40, s17, s11, $0xb8;
	[tilespmem:$0x1C840] =	vst v63  }
0x3b: {  	_ = 	snop  }
0x3c: {  	[tilespmem:s21], [sflag:$0x4] =	stream.indirect.gather [hbm4b:s6+s13], $0x40, s19, s13, $0xb8;
	[tilespmem:$0x1C840] =	vst v63  }
0x3d: {  	_ =	swait.ge [sflag:s22], $0x1A00  }
0x3e: {  	[sflag:s22] =	ssyncset.done $0x0  }
0x3f: {  	[sflag:s22] =	ssyncadd.s32 $0xFFFFE600  }
0x40: {  	_ =	swait.ge [sflag:s22], $0x1800  }
0x41: {  	[sflag:s22] =	ssyncset.done $0x0  }
0x42: {  	[sflag:s22] =	ssyncadd.s32 $0xFFFFE800  }
0x43: {  	_ =	swait.ge [sflag:s22], $0x1A00  }
0x44: {  	[sflag:s22] =	ssyncset.done $0x0  }
0x45: {  	[sflag:s22] =	ssyncadd.s32 $0xFFFFE600  }
0x46: {  	_ =	swait.ge [sflag:s22], $0x1800  }
0x47: {  	[sflag:s22] =	ssyncset.done $0x0  }
0x48: {  	s15 =	simm.s32 $0x680;
	[sflag:s22] =	ssyncadd.s32 $0xFFFFE800  }
0x49: {  	v2 =	vld [tilespmem:s15+$0x10]  }
0x4a: {  	s9 =	simm.s32 $0x6AB0;
	v0 =	vld [tilespmem:s15+$0x30]  }
0x4b: {  	v5 =	vld [tilespmem:s9+$0xFFFFFFE0]  }
0x4c: {  	v6 =	vld [tilespmem:s9+$0x0]  }
0x4d: {  	v12 =	vld [tilespmem:s15+$0xFFFFFFD0]  }
0x4e: {  	v11 =	vld [tilespmem:s15+$0xFFFFFFE0]  }
0x4f: {  	v13 =	vld [tilespmem:s15+$0xFFFFFFF0]  }
0x50: {  	v1 =	vld [tilespmem:s9+$0xFFFFCD90]  }
0x51: {  	v8 =	vld [tilespmem:s9+$0xFFFFCDA0]  }
0x52: {  	v3 =	vld [tilespmem:s9+$0xFFFFCDB0]  }
0x53: {  	v9 =	vld [tilespmem:s9+$0xFFFFCDC0]  }
0x54: {  	v4 =	vld [tilespmem:s15+$0x0];
	v7 =	vmul.f32 v5, v0  }
0x55: {  	v15 =	vld [tilespmem:s9+$0xFFFFFFA0];
	v5 =	vmul.f32 v5, v2;
	v14 =	vmul.f32 v6, v0  }
0x56: {  	v22 =	vld [tilespmem:s9+$0xFFFFCDD0]  }
0x57: {  	v25 =	vld [tilespmem:s9+$0xFFFFCDE0];
	v10 =	vmul.f32 v6, v2;
	v14 =	vsub.f32 v5, v14  }
0x58: {  	v6 =	vld [tilespmem:s15+$0x20]  }
0x59: {  	v16 =	vmul.f32 v8, v12;
	v20 =	vmul.f32 v8, v13;
	v10 =	vadd.f32 v10, v7;
	[tilespmem:s9+$0xFFFFFFE0] =	vst v14;
	v14 =	vld [tilespmem:s9+$0xFFFFFFC0]  }
0x5a: {  	v8 =	vmul.f32 v3, v11;
	v21 =	vmul.f32 v9, v13;
	v7 =	vld [tilespmem:s9+$0xFFFFFF90]  }
0x5b: {  	v24 =	vmul.f32 v9, v12;
	v26 =	vmul.f32 v15, v12;
	[tilespmem:s9+$0x0] =	vst v10;
	v10 =	vld [tilespmem:s9+$0xFFFFFFB0]  }
0x5c: {  	v18 =	vld [tilespmem:s9+$0xFFFFCDF0];
	v19 =	vmul.f32 v15, v13;
	v5 =	vmul.f32 v1, v11  }
0x5d: {  	v17 =	vld [tilespmem:s9+$0xFFFFCE00];
	v16 =	vsub.f32 v16, v21;
	v21 =	vmul.f32 v22, v4;
	v15 =	vmul.f32 v22, v6  }
0x5e: {  	v27 =	vmul.f32 v14, v13;
	v23 =	vmul.f32 v14, v12;
	v12 =	vld [tilespmem:s9+$0xFFFFFFD0]  }
0x5f: {  	v20 =	vadd.f32 v24, v20;
	v22 =	vmul.f32 v25, v2;
	v9 =	vmul.f32 v7, v11;
	v14 =	vld [tilespmem:s9+$0xFFFFFFF0]  }
0x60: {  	s5 =	simm.s32 $0x6AB0;
	s8 =	simm.s32 $0x0;
	v11 =	vmul.f32 v10, v11;
	v13 =	vld [tilespmem:s15+$0xFFFFFFC0];
	[tilespmem:s9+$0xFFFFCDA0] =	vst v16;
	v16 =	vmul.f32 v25, v0;
	s15 =	simm.s32 $0x700;
	v24 =	vsub.f32 v26, v27  }
.LBB2_3:
0x61: {  	v25 =	vld [tilespmem:s15+$0x10];
	[tilespmem:s9+$0xFFFFCDC0] =	vst v20;
	v19 =	vadd.f32 v23, v19;
	v20 =	vmul.f32 v18, v6;
	v18 =	vmul.f32 v18, v4  }
0x62: {  	s9 =	sadd.s32 $0x80, s9;
	[tilespmem:s5+$0xFFFFFFA0] =	vst v24;
	v23 =	vmul.f32 v17, v0;
	v0 =	vld [tilespmem:s15+$0x30];
	v2 =	vmul.f32 v17, v2  }
0x63: {  	v17 =	vld [tilespmem:s9+$0xFFFFFFE0];
	[tilespmem:s5+$0xFFFFFFC0] =	vst v19;
	v19 =	vsub.f32 v21, v20;
	v20 =	vmul.f32 v12, v4;
	v12 =	vmul.f32 v12, v6  }
0x64: {  	s8 =	sadd.s32 $0x2, s8;
	v21 =	vld [tilespmem:s9+$0x0];
	v22 =	vsub.f32 v22, v23;
	v6 =	vmul.f32 v14, v6;
	v4 =	vmul.f32 v14, v4  }
0x65: {  	p0 =	slt.u32 s8, $0xC6;
	v15 =	vadd.f32 v18, v15;
	v14 =	vld [tilespmem:s15+$0xFFFFFFD0];
	v1 =	vmul.f32 v1, v13;
	v3 =	vmul.f32 v3, v13;
	[tilespmem:s5+$0xFFFFCDD0] =	vst v19  }
0x66: {  	v7 =	vmul.f32 v7, v13;
	v10 =	vmul.f32 v10, v13;
	v13 =	vadd.f32 v2, v16;
	v23 =	vld [tilespmem:s15+$0xFFFFFFE0];
	[tilespmem:s5+$0xFFFFCDE0] =	vst v22  }
0x67: {  	v2 =	vmov v25;
	v16 =	vld [tilespmem:s15+$0xFFFFFFF0];
	v8 =	vsub.f32 v1, v8;
	v5 =	vadd.f32 v3, v5;
	[tilespmem:s5+$0xFFFFCDF0] =	vst v15  }
0x68: {  	v7 =	vsub.f32 v7, v11;
	v9 =	vadd.f32 v10, v9;
	v1 =	vld [tilespmem:s9+$0xFFFFCD90];
	v15 =	vmul.f32 v17, v2;
	[tilespmem:s5+$0xFFFFCE00] =	vst v13  }
0x69: {  	v11 =	vmul.f32 v17, v0;
	v10 =	vld [tilespmem:s9+$0xFFFFCDA0];
	v13 =	vmul.f32 v21, v2;
	[tilespmem:s5+$0xFFFFCD90] =	vst v8;
	v8 =	vsub.f32 v20, v6  }
0x6a: {  	v12 =	vadd.f32 v4, v12;
	v6 =	vmul.f32 v21, v0;
	v3 =	vld [tilespmem:s9+$0xFFFFCDB0];
	[tilespmem:s5+$0xFFFFCDB0] =	vst v5  }
0x6b: {  	v17 =	vld [tilespmem:s9+$0xFFFFCDC0];
	v11 =	vadd.f32 v13, v11;
	[tilespmem:s5+$0xFFFFFF90] =	vst v7  }
0x6c: {  	v13 =	vsub.f32 v15, v6;
	v4 =	vld [tilespmem:s15+$0x0];
	[tilespmem:s5+$0xFFFFFFB0] =	vst v9  }
0x6d: {  	v5 =	vmul.f32 v1, v23;
	v6 =	vld [tilespmem:s15+$0x20];
	[tilespmem:s9+$0x0] =	vst v11  }
0x6e: {  	v9 =	vmul.f32 v10, v14;
	v11 =	vmul.f32 v10, v16;
	v7 =	vld [tilespmem:s9+$0xFFFFFF90];
	[tilespmem:s5+$0xFFFFFFD0] =	vst v8  }
0x6f: {  	v8 =	vmul.f32 v3, v23;
	v15 =	vld [tilespmem:s9+$0xFFFFFFA0];
	[tilespmem:s9+$0xFFFFFFE0] =	vst v13  }
0x70: {  	v13 =	vmul.f32 v17, v16;
	v17 =	vmul.f32 v17, v14;
	v10 =	vld [tilespmem:s9+$0xFFFFFFB0];
	[tilespmem:s5+$0xFFFFFFF0] =	vst v12;
	s5 =	smov.u32 s9  }
0x71: {  	v12 =	vld [tilespmem:s9+$0xFFFFFFC0]  }
0x72: {  	v22 =	vsub.f32 v9, v13;
	v20 =	vadd.f32 v17, v11;
	v13 =	vld [tilespmem:s9+$0xFFFFCDD0]  }
0x73: {  	v9 =	vmul.f32 v7, v23;
	v25 =	vld [tilespmem:s9+$0xFFFFCDE0]  }
.Ltmp0:
0x74: {  	v24 =	vmul.f32 v15, v14;
	v19 =	vmul.f32 v15, v16;
	v18 =	vld [tilespmem:s9+$0xFFFFCDF0];
	(pc) =	sbr.rel @p0 .LBB2_3-.Ltmp0, $4  }
0x75: {  	v11 =	vmul.f32 v10, v23;
	v17 =	vld [tilespmem:s9+$0xFFFFCE00]  }
0x76: {  	v16 =	vmul.f32 v12, v16;
	v23 =	vmul.f32 v12, v14;
	v12 =	vld [tilespmem:s9+$0xFFFFFFD0]  }
0x77: {  	v21 =	vmul.f32 v13, v4;
	v15 =	vmul.f32 v13, v6;
	v14 =	vld [tilespmem:s9+$0xFFFFFFF0]  }
0x78: {  	v13 =	vld [tilespmem:s15+$0xFFFFFFC0];
	[tilespmem:s9+$0xFFFFCDA0] =	vst v22;
	v24 =	vsub.f32 v24, v16;
	v22 =	vmul.f32 v25, v2;
	v16 =	vmul.f32 v25, v0;
	s15 =	sadd.s32 $0x80, s15  }
0x79: {  	v25 =	vmul.f32 v18, v6  }
0x7a: {  	[tilespmem:s9+$0xFFFFCDC0] =	vst v20;
	v19 =	vadd.f32 v23, v19;
	v0 =	vmul.f32 v17, v0  }
0x7b: {  	v18 =	vmul.f32 v18, v4;
	[tilespmem:s5+$0xFFFFFFA0] =	vst v24;
	v20 =	vsub.f32 v21, v25  }
0x7c: {  	v2 =	vmul.f32 v17, v2;
	[tilespmem:s5+$0xFFFFFFC0] =	vst v19;
	v0 =	vsub.f32 v22, v0  }
0x7d: {  	v15 =	vadd.f32 v18, v15;
	v1 =	vmul.f32 v1, v13;
	[tilespmem:s5+$0xFFFFCDD0] =	vst v20  }
0x7e: {  	v3 =	vmul.f32 v3, v13;
	[tilespmem:s5+$0xFFFFCDE0] =	vst v0;
	v0 =	vadd.f32 v2, v16  }
0x7f: {  	[tilespmem:s5+$0xFFFFCDF0] =	vst v15;
	v2 =	vmul.f32 v7, v13;
	v1 =	vsub.f32 v1, v8  }
0x80: {  	v7 =	vmul.f32 v10, v13;
	v3 =	vadd.f32 v3, v5;
	[tilespmem:s5+$0xFFFFCE00] =	vst v0  }
0x81: {  	v5 =	vmul.f32 v14, v6;
	v0 =	vmul.f32 v12, v4;
	v2 =	vsub.f32 v2, v11;
	[tilespmem:s5+$0xFFFFCD90] =	vst v1  }
0x82: {  	v4 =	vmul.f32 v14, v4;
	v1 =	vmul.f32 v12, v6;
	v6 =	vadd.f32 v7, v9;
	[tilespmem:s5+$0xFFFFCDB0] =	vst v3  }
0x83: {  	v0 =	vsub.f32 v0, v5;
	[tilespmem:s5+$0xFFFFFF90] =	vst v2  }
0x84: {  	s8 =	smul.u32 $0x640, s3;
	v1 =	vadd.f32 v4, v1;
	[tilespmem:s5+$0xFFFFFFB0] =	vst v6  }
0x85: {  	[tilespmem:s5+$0xFFFFFFD0] =	vst v0  }
0x86: {  	s9 =	sadd.s32 s1, s8;
	[tilespmem:s5+$0xFFFFFFF0] =	vst v1  }
0x87: {  	[hbm4b:s9+s2] =	stream.linear.scatter [tilespmem:s12], [sflag:$0x5], $0x6400, $0x38;
	[tilespmem:$0x1C840] =	vst v63  }
0x88: {  	_ =	swait.ge [sflag:s23], $0x1A00  }
0x89: {  	[sflag:s23] =	ssyncset.done $0x0  }
0x8a: {  	[sflag:s23] =	ssyncadd.s32 $0xFFFFE600  }
0x8b: {  	_ =	swait.ge [sflag:s23], $0x1800  }
0x8c: {  	[sflag:s23] =	ssyncset.done $0x0  }
0x8d: {  	[sflag:s23] =	ssyncadd.s32 $0xFFFFE800  }
0x8e: {  	_ =	swait.ge [sflag:s23], $0x1A00  }
0x8f: {  	[sflag:s23] =	ssyncset.done $0x0  }
0x90: {  	[sflag:s23] =	ssyncadd.s32 $0xFFFFE600  }
0x91: {  	_ =	swait.ge [sflag:s23], $0x1800  }
0x92: {  	[sflag:s23] =	ssyncset.done $0x0  }
0x93: {  	s15 =	simm.s32 $0x680;
	[sflag:s23] =	ssyncadd.s32 $0xFFFFE800  }
0x94: {  	v2 =	vld [tilespmem:s15+$0x10]  }
0x95: {  	s9 =	simm.s32 $0xCEB0;
	v0 =	vld [tilespmem:s15+$0x30]  }
0x96: {  	v5 =	vld [tilespmem:s9+$0xFFFFFFE0]  }
0x97: {  	v6 =	vld [tilespmem:s9+$0x0]  }
0x98: {  	v12 =	vld [tilespmem:s15+$0xFFFFFFD0]  }
0x99: {  	v11 =	vld [tilespmem:s15+$0xFFFFFFE0]  }
0x9a: {  	v13 =	vld [tilespmem:s15+$0xFFFFFFF0]  }
0x9b: {  	v1 =	vld [tilespmem:s9+$0xFFFFCD90]  }
0x9c: {  	v8 =	vld [tilespmem:s9+$0xFFFFCDA0]  }
0x9d: {  	v3 =	vld [tilespmem:s9+$0xFFFFCDB0]  }
0x9e: {  	v9 =	vld [tilespmem:s9+$0xFFFFCDC0]  }
0x9f: {  	v4 =	vld [tilespmem:s15+$0x0];
	v7 =	vmul.f32 v5, v0  }
0xa0: {  	v15 =	vld [tilespmem:s9+$0xFFFFFFA0];
	v5 =	vmul.f32 v5, v2;
	v14 =	vmul.f32 v6, v0  }
0xa1: {  	v22 =	vld [tilespmem:s9+$0xFFFFCDD0]  }
0xa2: {  	v25 =	vld [tilespmem:s9+$0xFFFFCDE0];
	v10 =	vmul.f32 v6, v2;
	v14 =	vsub.f32 v5, v14  }
0xa3: {  	v6 =	vld [tilespmem:s15+$0x20]  }
0xa4: {  	v16 =	vmul.f32 v8, v12;
	v20 =	vmul.f32 v8, v13;
	v10 =	vadd.f32 v10, v7;
	[tilespmem:s9+$0xFFFFFFE0] =	vst v14;
	v14 =	vld [tilespmem:s9+$0xFFFFFFC0]  }
0xa5: {  	v8 =	vmul.f32 v3, v11;
	v21 =	vmul.f32 v9, v13;
	v7 =	vld [tilespmem:s9+$0xFFFFFF90]  }
0xa6: {  	v24 =	vmul.f32 v9, v12;
	v26 =	vmul.f32 v15, v12;
	[tilespmem:s9+$0x0] =	vst v10;
	v10 =	vld [tilespmem:s9+$0xFFFFFFB0]  }
0xa7: {  	v18 =	vld [tilespmem:s9+$0xFFFFCDF0];
	v19 =	vmul.f32 v15, v13;
	v5 =	vmul.f32 v1, v11  }
0xa8: {  	v17 =	vld [tilespmem:s9+$0xFFFFCE00];
	v16 =	vsub.f32 v16, v21;
	v21 =	vmul.f32 v22, v4;
	v15 =	vmul.f32 v22, v6  }
0xa9: {  	v27 =	vmul.f32 v14, v13;
	v23 =	vmul.f32 v14, v12;
	v12 =	vld [tilespmem:s9+$0xFFFFFFD0]  }
0xaa: {  	v20 =	vadd.f32 v24, v20;
	v22 =	vmul.f32 v25, v2;
	v9 =	vmul.f32 v7, v11;
	v14 =	vld [tilespmem:s9+$0xFFFFFFF0]  }
0xab: {  	s8 =	simm.s32 $0x0;
	s5 =	simm.s32 $0xCEB0;
	v11 =	vmul.f32 v10, v11;
	v13 =	vld [tilespmem:s15+$0xFFFFFFC0];
	[tilespmem:s9+$0xFFFFCDA0] =	vst v16;
	v16 =	vmul.f32 v25, v0;
	s15 =	simm.s32 $0x700;
	v24 =	vsub.f32 v26, v27  }
.LBB2_5:
0xac: {  	v25 =	vld [tilespmem:s15+$0x10];
	[tilespmem:s9+$0xFFFFCDC0] =	vst v20;
	v19 =	vadd.f32 v23, v19;
	v20 =	vmul.f32 v18, v6;
	v18 =	vmul.f32 v18, v4  }
0xad: {  	s9 =	sadd.s32 $0x80, s9;
	[tilespmem:s5+$0xFFFFFFA0] =	vst v24;
	v23 =	vmul.f32 v17, v0;
	v0 =	vld [tilespmem:s15+$0x30];
	v2 =	vmul.f32 v17, v2  }
0xae: {  	v17 =	vld [tilespmem:s9+$0xFFFFFFE0];
	[tilespmem:s5+$0xFFFFFFC0] =	vst v19;
	v19 =	vsub.f32 v21, v20;
	v20 =	vmul.f32 v12, v4;
	v12 =	vmul.f32 v12, v6  }
0xaf: {  	s8 =	sadd.s32 $0x2, s8;
	v21 =	vld [tilespmem:s9+$0x0];
	v22 =	vsub.f32 v22, v23;
	v6 =	vmul.f32 v14, v6;
	v4 =	vmul.f32 v14, v4  }
0xb0: {  	p0 =	slt.u32 s8, $0xC6;
	v15 =	vadd.f32 v18, v15;
	v14 =	vld [tilespmem:s15+$0xFFFFFFD0];
	v1 =	vmul.f32 v1, v13;
	v3 =	vmul.f32 v3, v13;
	[tilespmem:s5+$0xFFFFCDD0] =	vst v19  }
0xb1: {  	v7 =	vmul.f32 v7, v13;
	v10 =	vmul.f32 v10, v13;
	v13 =	vadd.f32 v2, v16;
	v23 =	vld [tilespmem:s15+$0xFFFFFFE0];
	[tilespmem:s5+$0xFFFFCDE0] =	vst v22  }
0xb2: {  	v2 =	vmov v25;
	v16 =	vld [tilespmem:s15+$0xFFFFFFF0];
	v8 =	vsub.f32 v1, v8;
	v5 =	vadd.f32 v3, v5;
	[tilespmem:s5+$0xFFFFCDF0] =	vst v15  }
0xb3: {  	v7 =	vsub.f32 v7, v11;
	v9 =	vadd.f32 v10, v9;
	v1 =	vld [tilespmem:s9+$0xFFFFCD90];
	v15 =	vmul.f32 v17, v2;
	[tilespmem:s5+$0xFFFFCE00] =	vst v13  }
0xb4: {  	v11 =	vmul.f32 v17, v0;
	v10 =	vld [tilespmem:s9+$0xFFFFCDA0];
	v13 =	vmul.f32 v21, v2;
	[tilespmem:s5+$0xFFFFCD90] =	vst v8;
	v8 =	vsub.f32 v20, v6  }
0xb5: {  	v12 =	vadd.f32 v4, v12;
	v6 =	vmul.f32 v21, v0;
	v3 =	vld [tilespmem:s9+$0xFFFFCDB0];
	[tilespmem:s5+$0xFFFFCDB0] =	vst v5  }
0xb6: {  	v17 =	vld [tilespmem:s9+$0xFFFFCDC0];
	v11 =	vadd.f32 v13, v11;
	[tilespmem:s5+$0xFFFFFF90] =	vst v7  }
0xb7: {  	v13 =	vsub.f32 v15, v6;
	v4 =	vld [tilespmem:s15+$0x0];
	[tilespmem:s5+$0xFFFFFFB0] =	vst v9  }
0xb8: {  	v5 =	vmul.f32 v1, v23;
	v6 =	vld [tilespmem:s15+$0x20];
	[tilespmem:s9+$0x0] =	vst v11  }
0xb9: {  	v9 =	vmul.f32 v10, v14;
	v11 =	vmul.f32 v10, v16;
	v7 =	vld [tilespmem:s9+$0xFFFFFF90];
	[tilespmem:s5+$0xFFFFFFD0] =	vst v8  }
0xba: {  	v8 =	vmul.f32 v3, v23;
	v15 =	vld [tilespmem:s9+$0xFFFFFFA0];
	[tilespmem:s9+$0xFFFFFFE0] =	vst v13  }
0xbb: {  	v13 =	vmul.f32 v17, v16;
	v17 =	vmul.f32 v17, v14;
	v10 =	vld [tilespmem:s9+$0xFFFFFFB0];
	[tilespmem:s5+$0xFFFFFFF0] =	vst v12;
	s5 =	smov.u32 s9  }
0xbc: {  	v12 =	vld [tilespmem:s9+$0xFFFFFFC0]  }
0xbd: {  	v22 =	vsub.f32 v9, v13;
	v20 =	vadd.f32 v17, v11;
	v13 =	vld [tilespmem:s9+$0xFFFFCDD0]  }
0xbe: {  	v9 =	vmul.f32 v7, v23;
	v25 =	vld [tilespmem:s9+$0xFFFFCDE0]  }
.Ltmp1:
0xbf: {  	v24 =	vmul.f32 v15, v14;
	v19 =	vmul.f32 v15, v16;
	v18 =	vld [tilespmem:s9+$0xFFFFCDF0];
	(pc) =	sbr.rel @p0 .LBB2_5-.Ltmp1, $4  }
0xc0: {  	v11 =	vmul.f32 v10, v23;
	v17 =	vld [tilespmem:s9+$0xFFFFCE00]  }
0xc1: {  	v16 =	vmul.f32 v12, v16;
	v23 =	vmul.f32 v12, v14;
	v12 =	vld [tilespmem:s9+$0xFFFFFFD0]  }
0xc2: {  	v21 =	vmul.f32 v13, v4;
	v15 =	vmul.f32 v13, v6;
	v14 =	vld [tilespmem:s9+$0xFFFFFFF0]  }
0xc3: {  	v13 =	vld [tilespmem:s15+$0xFFFFFFC0];
	[tilespmem:s9+$0xFFFFCDA0] =	vst v22;
	v24 =	vsub.f32 v24, v16;
	v22 =	vmul.f32 v25, v2;
	v16 =	vmul.f32 v25, v0;
	s15 =	sadd.s32 $0x80, s15  }
0xc4: {  	v25 =	vmul.f32 v18, v6  }
0xc5: {  	[tilespmem:s9+$0xFFFFCDC0] =	vst v20;
	v19 =	vadd.f32 v23, v19;
	v0 =	vmul.f32 v17, v0  }
0xc6: {  	v18 =	vmul.f32 v18, v4;
	[tilespmem:s5+$0xFFFFFFA0] =	vst v24;
	v20 =	vsub.f32 v21, v25  }
0xc7: {  	v2 =	vmul.f32 v17, v2;
	[tilespmem:s5+$0xFFFFFFC0] =	vst v19;
	v0 =	vsub.f32 v22, v0  }
0xc8: {  	v15 =	vadd.f32 v18, v15;
	v1 =	vmul.f32 v1, v13;
	[tilespmem:s5+$0xFFFFCDD0] =	vst v20  }
0xc9: {  	v3 =	vmul.f32 v3, v13;
	[tilespmem:s5+$0xFFFFCDE0] =	vst v0;
	v0 =	vadd.f32 v2, v16  }
0xca: {  	[tilespmem:s5+$0xFFFFCDF0] =	vst v15;
	v2 =	vmul.f32 v7, v13;
	v1 =	vsub.f32 v1, v8  }
0xcb: {  	v7 =	vmul.f32 v10, v13;
	v3 =	vadd.f32 v3, v5;
	[tilespmem:s5+$0xFFFFCE00] =	vst v0  }
0xcc: {  	v5 =	vmul.f32 v14, v6;
	v0 =	vmul.f32 v12, v4;
	v2 =	vsub.f32 v2, v11;
	[tilespmem:s5+$0xFFFFCD90] =	vst v1  }
0xcd: {  	s3 =	smul.u32 $0x3200, s3;
	v4 =	vmul.f32 v14, v4;
	v1 =	vmul.f32 v12, v6;
	v6 =	vadd.f32 v7, v9;
	[tilespmem:s5+$0xFFFFCDB0] =	vst v3  }
0xce: {  	v0 =	vsub.f32 v0, v5;
	[tilespmem:s5+$0xFFFFFF90] =	vst v2  }
0xcf: {  	s3 =	sshrl.u32 s3, $0x3;
	v1 =	vadd.f32 v4, v1;
	[tilespmem:s5+$0xFFFFFFB0] =	vst v6  }
0xd0: {  	s3 =	sadd.s32 s1, s3;
	[tilespmem:s5+$0xFFFFFFD0] =	vst v0  }
0xd1: {  	s9 =	sadd.s32 $0xC80, s3;
	[tilespmem:s5+$0xFFFFFFF0] =	vst v1  }
0xd2: {  	[hbm4b:s9+s2] =	stream.linear.scatter [tilespmem:s20], [sflag:$0x6], $0x6400, $0x38;
	[tilespmem:$0x1C840] =	vst v63  }
0xd3: {  	_ =	swait.ge [sflag:s24], $0x1A00  }
0xd4: {  	[sflag:s24] =	ssyncset.done $0x0  }
0xd5: {  	[sflag:s24] =	ssyncadd.s32 $0xFFFFE600  }
0xd6: {  	_ =	swait.ge [sflag:s24], $0x1800  }
0xd7: {  	[sflag:s24] =	ssyncset.done $0x0  }
0xd8: {  	[sflag:s24] =	ssyncadd.s32 $0xFFFFE800  }
0xd9: {  	_ =	swait.ge [sflag:s24], $0x1A00  }
0xda: {  	[sflag:s24] =	ssyncset.done $0x0  }
0xdb: {  	[sflag:s24] =	ssyncadd.s32 $0xFFFFE600  }
0xdc: {  	_ =	swait.ge [sflag:s24], $0x1800  }
0xdd: {  	[sflag:s24] =	ssyncset.done $0x0  }
0xde: {  	s15 =	simm.s32 $0x680;
	[sflag:s24] =	ssyncadd.s32 $0xFFFFE800  }
0xdf: {  	v2 =	vld [tilespmem:s15+$0x10]  }
0xe0: {  	s9 =	simm.s32 $0x132B0;
	v0 =	vld [tilespmem:s15+$0x30]  }
0xe1: {  	v5 =	vld [tilespmem:s9+$0xFFFFFFE0]  }
0xe2: {  	v6 =	vld [tilespmem:s9+$0x0]  }
0xe3: {  	v12 =	vld [tilespmem:s15+$0xFFFFFFD0]  }
0xe4: {  	v11 =	vld [tilespmem:s15+$0xFFFFFFE0]  }
0xe5: {  	v13 =	vld [tilespmem:s15+$0xFFFFFFF0]  }
0xe6: {  	v1 =	vld [tilespmem:s9+$0xFFFFCD90]  }
0xe7: {  	v8 =	vld [tilespmem:s9+$0xFFFFCDA0]  }
0xe8: {  	v3 =	vld [tilespmem:s9+$0xFFFFCDB0]  }
0xe9: {  	v9 =	vld [tilespmem:s9+$0xFFFFCDC0]  }
0xea: {  	v4 =	vld [tilespmem:s15+$0x0];
	v7 =	vmul.f32 v5, v0  }
0xeb: {  	v15 =	vld [tilespmem:s9+$0xFFFFFFA0];
	v5 =	vmul.f32 v5, v2;
	v14 =	vmul.f32 v6, v0  }
0xec: {  	v22 =	vld [tilespmem:s9+$0xFFFFCDD0]  }
0xed: {  	v25 =	vld [tilespmem:s9+$0xFFFFCDE0];
	v10 =	vmul.f32 v6, v2;
	v14 =	vsub.f32 v5, v14  }
0xee: {  	v6 =	vld [tilespmem:s15+$0x20]  }
0xef: {  	v16 =	vmul.f32 v8, v12;
	v20 =	vmul.f32 v8, v13;
	v10 =	vadd.f32 v10, v7;
	[tilespmem:s9+$0xFFFFFFE0] =	vst v14;
	v14 =	vld [tilespmem:s9+$0xFFFFFFC0]  }
0xf0: {  	v8 =	vmul.f32 v3, v11;
	v21 =	vmul.f32 v9, v13;
	v7 =	vld [tilespmem:s9+$0xFFFFFF90]  }
0xf1: {  	v24 =	vmul.f32 v9, v12;
	v26 =	vmul.f32 v15, v12;
	[tilespmem:s9+$0x0] =	vst v10;
	v10 =	vld [tilespmem:s9+$0xFFFFFFB0]  }
0xf2: {  	v18 =	vld [tilespmem:s9+$0xFFFFCDF0];
	v19 =	vmul.f32 v15, v13;
	v5 =	vmul.f32 v1, v11  }
0xf3: {  	v17 =	vld [tilespmem:s9+$0xFFFFCE00];
	v16 =	vsub.f32 v16, v21;
	v21 =	vmul.f32 v22, v4;
	v15 =	vmul.f32 v22, v6  }
0xf4: {  	v27 =	vmul.f32 v14, v13;
	v23 =	vmul.f32 v14, v12;
	v12 =	vld [tilespmem:s9+$0xFFFFFFD0]  }
0xf5: {  	v20 =	vadd.f32 v24, v20;
	v22 =	vmul.f32 v25, v2;
	v9 =	vmul.f32 v7, v11;
	v14 =	vld [tilespmem:s9+$0xFFFFFFF0]  }
0xf6: {  	s8 =	simm.s32 $0x0;
	s5 =	simm.s32 $0x132B0;
	v11 =	vmul.f32 v10, v11;
	v13 =	vld [tilespmem:s15+$0xFFFFFFC0];
	[tilespmem:s9+$0xFFFFCDA0] =	vst v16;
	v16 =	vmul.f32 v25, v0;
	s15 =	simm.s32 $0x700;
	v24 =	vsub.f32 v26, v27  }
.LBB2_7:
0xf7: {  	v25 =	vld [tilespmem:s15+$0x10];
	[tilespmem:s9+$0xFFFFCDC0] =	vst v20;
	v19 =	vadd.f32 v23, v19;
	v20 =	vmul.f32 v18, v6;
	v18 =	vmul.f32 v18, v4  }
0xf8: {  	s9 =	sadd.s32 $0x80, s9;
	[tilespmem:s5+$0xFFFFFFA0] =	vst v24;
	v23 =	vmul.f32 v17, v0;
	v0 =	vld [tilespmem:s15+$0x30];
	v2 =	vmul.f32 v17, v2  }
0xf9: {  	v17 =	vld [tilespmem:s9+$0xFFFFFFE0];
	[tilespmem:s5+$0xFFFFFFC0] =	vst v19;
	v19 =	vsub.f32 v21, v20;
	v20 =	vmul.f32 v12, v4;
	v12 =	vmul.f32 v12, v6  }
0xfa: {  	s8 =	sadd.s32 $0x2, s8;
	v21 =	vld [tilespmem:s9+$0x0];
	v22 =	vsub.f32 v22, v23;
	v6 =	vmul.f32 v14, v6;
	v4 =	vmul.f32 v14, v4  }
0xfb: {  	p0 =	slt.u32 s8, $0xC6;
	v15 =	vadd.f32 v18, v15;
	v14 =	vld [tilespmem:s15+$0xFFFFFFD0];
	v1 =	vmul.f32 v1, v13;
	v3 =	vmul.f32 v3, v13;
	[tilespmem:s5+$0xFFFFCDD0] =	vst v19  }
0xfc: {  	v7 =	vmul.f32 v7, v13;
	v10 =	vmul.f32 v10, v13;
	v13 =	vadd.f32 v2, v16;
	v23 =	vld [tilespmem:s15+$0xFFFFFFE0];
	[tilespmem:s5+$0xFFFFCDE0] =	vst v22  }
0xfd: {  	v2 =	vmov v25;
	v16 =	vld [tilespmem:s15+$0xFFFFFFF0];
	v8 =	vsub.f32 v1, v8;
	v5 =	vadd.f32 v3, v5;
	[tilespmem:s5+$0xFFFFCDF0] =	vst v15  }
0xfe: {  	v7 =	vsub.f32 v7, v11;
	v9 =	vadd.f32 v10, v9;
	v1 =	vld [tilespmem:s9+$0xFFFFCD90];
	v15 =	vmul.f32 v17, v2;
	[tilespmem:s5+$0xFFFFCE00] =	vst v13  }
0xff: {  	v11 =	vmul.f32 v17, v0;
	v10 =	vld [tilespmem:s9+$0xFFFFCDA0];
	v13 =	vmul.f32 v21, v2;
	[tilespmem:s5+$0xFFFFCD90] =	vst v8;
	v8 =	vsub.f32 v20, v6  }
0x100: {  	v12 =	vadd.f32 v4, v12;
	v6 =	vmul.f32 v21, v0;
	v3 =	vld [tilespmem:s9+$0xFFFFCDB0];
	[tilespmem:s5+$0xFFFFCDB0] =	vst v5  }
0x101: {  	v17 =	vld [tilespmem:s9+$0xFFFFCDC0];
	v11 =	vadd.f32 v13, v11;
	[tilespmem:s5+$0xFFFFFF90] =	vst v7  }
0x102: {  	v13 =	vsub.f32 v15, v6;
	v4 =	vld [tilespmem:s15+$0x0];
	[tilespmem:s5+$0xFFFFFFB0] =	vst v9  }
0x103: {  	v5 =	vmul.f32 v1, v23;
	v6 =	vld [tilespmem:s15+$0x20];
	[tilespmem:s9+$0x0] =	vst v11  }
0x104: {  	v9 =	vmul.f32 v10, v14;
	v11 =	vmul.f32 v10, v16;
	v7 =	vld [tilespmem:s9+$0xFFFFFF90];
	[tilespmem:s5+$0xFFFFFFD0] =	vst v8  }
0x105: {  	v8 =	vmul.f32 v3, v23;
	v15 =	vld [tilespmem:s9+$0xFFFFFFA0];
	[tilespmem:s9+$0xFFFFFFE0] =	vst v13  }
0x106: {  	v13 =	vmul.f32 v17, v16;
	v17 =	vmul.f32 v17, v14;
	v10 =	vld [tilespmem:s9+$0xFFFFFFB0];
	[tilespmem:s5+$0xFFFFFFF0] =	vst v12;
	s5 =	smov.u32 s9  }
0x107: {  	v12 =	vld [tilespmem:s9+$0xFFFFFFC0]  }
0x108: {  	v22 =	vsub.f32 v9, v13;
	v20 =	vadd.f32 v17, v11;
	v13 =	vld [tilespmem:s9+$0xFFFFCDD0]  }
0x109: {  	v9 =	vmul.f32 v7, v23;
	v25 =	vld [tilespmem:s9+$0xFFFFCDE0]  }
.Ltmp2:
0x10a: {  	v24 =	vmul.f32 v15, v14;
	v19 =	vmul.f32 v15, v16;
	v18 =	vld [tilespmem:s9+$0xFFFFCDF0];
	(pc) =	sbr.rel @p0 .LBB2_7-.Ltmp2, $4  }
0x10b: {  	v11 =	vmul.f32 v10, v23;
	v17 =	vld [tilespmem:s9+$0xFFFFCE00]  }
0x10c: {  	v16 =	vmul.f32 v12, v16;
	v23 =	vmul.f32 v12, v14;
	v12 =	vld [tilespmem:s9+$0xFFFFFFD0]  }
0x10d: {  	v21 =	vmul.f32 v13, v4;
	v15 =	vmul.f32 v13, v6;
	v14 =	vld [tilespmem:s9+$0xFFFFFFF0]  }
0x10e: {  	v13 =	vld [tilespmem:s15+$0xFFFFFFC0];
	[tilespmem:s9+$0xFFFFCDA0] =	vst v22;
	v24 =	vsub.f32 v24, v16;
	v22 =	vmul.f32 v25, v2;
	v16 =	vmul.f32 v25, v0;
	s15 =	sadd.s32 $0x80, s15  }
0x10f: {  	v25 =	vmul.f32 v18, v6  }
0x110: {  	[tilespmem:s9+$0xFFFFCDC0] =	vst v20;
	v19 =	vadd.f32 v23, v19;
	v0 =	vmul.f32 v17, v0  }
0x111: {  	v18 =	vmul.f32 v18, v4;
	[tilespmem:s5+$0xFFFFFFA0] =	vst v24;
	v20 =	vsub.f32 v21, v25  }
0x112: {  	v2 =	vmul.f32 v17, v2;
	[tilespmem:s5+$0xFFFFFFC0] =	vst v19;
	v0 =	vsub.f32 v22, v0  }
0x113: {  	v15 =	vadd.f32 v18, v15;
	v1 =	vmul.f32 v1, v13;
	[tilespmem:s5+$0xFFFFCDD0] =	vst v20  }
0x114: {  	v3 =	vmul.f32 v3, v13;
	[tilespmem:s5+$0xFFFFCDE0] =	vst v0;
	v0 =	vadd.f32 v2, v16  }
0x115: {  	[tilespmem:s5+$0xFFFFCDF0] =	vst v15;
	v2 =	vmul.f32 v7, v13;
	v1 =	vsub.f32 v1, v8  }
0x116: {  	v7 =	vmul.f32 v10, v13;
	v3 =	vadd.f32 v3, v5;
	[tilespmem:s5+$0xFFFFCE00] =	vst v0  }
0x117: {  	v5 =	vmul.f32 v14, v6;
	v0 =	vmul.f32 v12, v4;
	v2 =	vsub.f32 v2, v11;
	[tilespmem:s5+$0xFFFFCD90] =	vst v1  }
0x118: {  	v4 =	vmul.f32 v14, v4;
	v1 =	vmul.f32 v12, v6;
	v6 =	vadd.f32 v7, v9;
	[tilespmem:s5+$0xFFFFCDB0] =	vst v3  }
0x119: {  	v0 =	vsub.f32 v0, v5;
	[tilespmem:s5+$0xFFFFFF90] =	vst v2  }
0x11a: {  	v1 =	vadd.f32 v4, v1;
	[tilespmem:s5+$0xFFFFFFB0] =	vst v6  }
0x11b: {  	[tilespmem:s5+$0xFFFFFFD0] =	vst v0  }
0x11c: {  	s9 =	sadd.s32 $0x1900, s3;
	[tilespmem:s5+$0xFFFFFFF0] =	vst v1  }
0x11d: {  	[hbm4b:s9+s2] =	stream.linear.scatter [tilespmem:s29], [sflag:$0x7], $0x6400, $0x38;
	[tilespmem:$0x1C840] =	vst v63  }
0x11e: {  	_ =	swait.ge [sflag:s25], $0x1A00  }
0x11f: {  	[sflag:s25] =	ssyncset.done $0x0  }
0x120: {  	[sflag:s25] =	ssyncadd.s32 $0xFFFFE600  }
0x121: {  	_ =	swait.ge [sflag:s25], $0x1800  }
0x122: {  	[sflag:s25] =	ssyncset.done $0x0  }
0x123: {  	[sflag:s25] =	ssyncadd.s32 $0xFFFFE800  }
0x124: {  	_ =	swait.ge [sflag:s25], $0x1A00  }
0x125: {  	[sflag:s25] =	ssyncset.done $0x0  }
0x126: {  	[sflag:s25] =	ssyncadd.s32 $0xFFFFE600  }
0x127: {  	_ =	swait.ge [sflag:s25], $0x1800  }
0x128: {  	[sflag:s25] =	ssyncset.done $0x0  }
0x129: {  	s15 =	simm.s32 $0x680;
	[sflag:s25] =	ssyncadd.s32 $0xFFFFE800  }
0x12a: {  	v2 =	vld [tilespmem:s15+$0x10]  }
0x12b: {  	s9 =	simm.s32 $0x196B0;
	v0 =	vld [tilespmem:s15+$0x30]  }
0x12c: {  	v5 =	vld [tilespmem:s9+$0xFFFFFFE0]  }
0x12d: {  	v6 =	vld [tilespmem:s9+$0x0]  }
0x12e: {  	v12 =	vld [tilespmem:s15+$0xFFFFFFD0]  }
0x12f: {  	v11 =	vld [tilespmem:s15+$0xFFFFFFE0]  }
0x130: {  	v13 =	vld [tilespmem:s15+$0xFFFFFFF0]  }
0x131: {  	v1 =	vld [tilespmem:s9+$0xFFFFCD90]  }
0x132: {  	v8 =	vld [tilespmem:s9+$0xFFFFCDA0]  }
0x133: {  	v3 =	vld [tilespmem:s9+$0xFFFFCDB0]  }
0x134: {  	v9 =	vld [tilespmem:s9+$0xFFFFCDC0]  }
0x135: {  	v4 =	vld [tilespmem:s15+$0x0];
	v7 =	vmul.f32 v5, v0  }
0x136: {  	v15 =	vld [tilespmem:s9+$0xFFFFFFA0];
	v5 =	vmul.f32 v5, v2;
	v14 =	vmul.f32 v6, v0  }
0x137: {  	v22 =	vld [tilespmem:s9+$0xFFFFCDD0]  }
0x138: {  	v25 =	vld [tilespmem:s9+$0xFFFFCDE0];
	v10 =	vmul.f32 v6, v2;
	v14 =	vsub.f32 v5, v14  }
0x139: {  	v6 =	vld [tilespmem:s15+$0x20]  }
0x13a: {  	v16 =	vmul.f32 v8, v12;
	v20 =	vmul.f32 v8, v13;
	v10 =	vadd.f32 v10, v7;
	[tilespmem:s9+$0xFFFFFFE0] =	vst v14;
	v14 =	vld [tilespmem:s9+$0xFFFFFFC0]  }
0x13b: {  	v8 =	vmul.f32 v3, v11;
	v21 =	vmul.f32 v9, v13;
	v7 =	vld [tilespmem:s9+$0xFFFFFF90]  }
0x13c: {  	v24 =	vmul.f32 v9, v12;
	v26 =	vmul.f32 v15, v12;
	[tilespmem:s9+$0x0] =	vst v10;
	v10 =	vld [tilespmem:s9+$0xFFFFFFB0]  }
0x13d: {  	v18 =	vld [tilespmem:s9+$0xFFFFCDF0];
	v19 =	vmul.f32 v15, v13;
	v5 =	vmul.f32 v1, v11  }
0x13e: {  	v17 =	vld [tilespmem:s9+$0xFFFFCE00];
	v16 =	vsub.f32 v16, v21;
	v21 =	vmul.f32 v22, v4;
	v15 =	vmul.f32 v22, v6  }
0x13f: {  	v27 =	vmul.f32 v14, v13;
	v23 =	vmul.f32 v14, v12;
	v12 =	vld [tilespmem:s9+$0xFFFFFFD0]  }
0x140: {  	v20 =	vadd.f32 v24, v20;
	v22 =	vmul.f32 v25, v2;
	v9 =	vmul.f32 v7, v11;
	v14 =	vld [tilespmem:s9+$0xFFFFFFF0]  }
0x141: {  	s8 =	simm.s32 $0x0;
	s5 =	simm.s32 $0x196B0;
	v11 =	vmul.f32 v10, v11;
	v13 =	vld [tilespmem:s15+$0xFFFFFFC0];
	[tilespmem:s9+$0xFFFFCDA0] =	vst v16;
	v16 =	vmul.f32 v25, v0;
	s15 =	simm.s32 $0x700;
	v24 =	vsub.f32 v26, v27  }
.LBB2_9:
0x142: {  	v25 =	vld [tilespmem:s15+$0x10];
	[tilespmem:s9+$0xFFFFCDC0] =	vst v20;
	v19 =	vadd.f32 v23, v19;
	v20 =	vmul.f32 v18, v6;
	v18 =	vmul.f32 v18, v4  }
0x143: {  	s9 =	sadd.s32 $0x80, s9;
	[tilespmem:s5+$0xFFFFFFA0] =	vst v24;
	v23 =	vmul.f32 v17, v0;
	v0 =	vld [tilespmem:s15+$0x30];
	v2 =	vmul.f32 v17, v2  }
0x144: {  	v17 =	vld [tilespmem:s9+$0xFFFFFFE0];
	[tilespmem:s5+$0xFFFFFFC0] =	vst v19;
	v19 =	vsub.f32 v21, v20;
	v20 =	vmul.f32 v12, v4;
	v12 =	vmul.f32 v12, v6  }
0x145: {  	s8 =	sadd.s32 $0x2, s8;
	v21 =	vld [tilespmem:s9+$0x0];
	v22 =	vsub.f32 v22, v23;
	v6 =	vmul.f32 v14, v6;
	v4 =	vmul.f32 v14, v4  }
0x146: {  	p0 =	slt.u32 s8, $0xC6;
	v15 =	vadd.f32 v18, v15;
	v14 =	vld [tilespmem:s15+$0xFFFFFFD0];
	v1 =	vmul.f32 v1, v13;
	v3 =	vmul.f32 v3, v13;
	[tilespmem:s5+$0xFFFFCDD0] =	vst v19  }
0x147: {  	v7 =	vmul.f32 v7, v13;
	v10 =	vmul.f32 v10, v13;
	v13 =	vadd.f32 v2, v16;
	v23 =	vld [tilespmem:s15+$0xFFFFFFE0];
	[tilespmem:s5+$0xFFFFCDE0] =	vst v22  }
0x148: {  	v2 =	vmov v25;
	v16 =	vld [tilespmem:s15+$0xFFFFFFF0];
	v8 =	vsub.f32 v1, v8;
	v5 =	vadd.f32 v3, v5;
	[tilespmem:s5+$0xFFFFCDF0] =	vst v15  }
0x149: {  	v7 =	vsub.f32 v7, v11;
	v9 =	vadd.f32 v10, v9;
	v1 =	vld [tilespmem:s9+$0xFFFFCD90];
	v15 =	vmul.f32 v17, v2;
	[tilespmem:s5+$0xFFFFCE00] =	vst v13  }
0x14a: {  	v11 =	vmul.f32 v17, v0;
	v10 =	vld [tilespmem:s9+$0xFFFFCDA0];
	v13 =	vmul.f32 v21, v2;
	[tilespmem:s5+$0xFFFFCD90] =	vst v8;
	v8 =	vsub.f32 v20, v6  }
0x14b: {  	v12 =	vadd.f32 v4, v12;
	v6 =	vmul.f32 v21, v0;
	v3 =	vld [tilespmem:s9+$0xFFFFCDB0];
	[tilespmem:s5+$0xFFFFCDB0] =	vst v5  }
0x14c: {  	v17 =	vld [tilespmem:s9+$0xFFFFCDC0];
	v11 =	vadd.f32 v13, v11;
	[tilespmem:s5+$0xFFFFFF90] =	vst v7  }
0x14d: {  	v13 =	vsub.f32 v15, v6;
	v4 =	vld [tilespmem:s15+$0x0];
	[tilespmem:s5+$0xFFFFFFB0] =	vst v9  }
0x14e: {  	v5 =	vmul.f32 v1, v23;
	v6 =	vld [tilespmem:s15+$0x20];
	[tilespmem:s9+$0x0] =	vst v11  }
0x14f: {  	v9 =	vmul.f32 v10, v14;
	v11 =	vmul.f32 v10, v16;
	v7 =	vld [tilespmem:s9+$0xFFFFFF90];
	[tilespmem:s5+$0xFFFFFFD0] =	vst v8  }
0x150: {  	v8 =	vmul.f32 v3, v23;
	v15 =	vld [tilespmem:s9+$0xFFFFFFA0];
	[tilespmem:s9+$0xFFFFFFE0] =	vst v13  }
0x151: {  	v13 =	vmul.f32 v17, v16;
	v17 =	vmul.f32 v17, v14;
	v10 =	vld [tilespmem:s9+$0xFFFFFFB0];
	[tilespmem:s5+$0xFFFFFFF0] =	vst v12;
	s5 =	smov.u32 s9  }
0x152: {  	v12 =	vld [tilespmem:s9+$0xFFFFFFC0]  }
0x153: {  	v22 =	vsub.f32 v9, v13;
	v20 =	vadd.f32 v17, v11;
	v13 =	vld [tilespmem:s9+$0xFFFFCDD0]  }
0x154: {  	v9 =	vmul.f32 v7, v23;
	v25 =	vld [tilespmem:s9+$0xFFFFCDE0]  }
.Ltmp3:
0x155: {  	v24 =	vmul.f32 v15, v14;
	v19 =	vmul.f32 v15, v16;
	v18 =	vld [tilespmem:s9+$0xFFFFCDF0];
	(pc) =	sbr.rel @p0 .LBB2_9-.Ltmp3, $4  }
0x156: {  	v11 =	vmul.f32 v10, v23;
	v17 =	vld [tilespmem:s9+$0xFFFFCE00]  }
0x157: {  	v16 =	vmul.f32 v12, v16;
	v23 =	vmul.f32 v12, v14;
	v12 =	vld [tilespmem:s9+$0xFFFFFFD0]  }
0x158: {  	v21 =	vmul.f32 v13, v4;
	v15 =	vmul.f32 v13, v6;
	v14 =	vld [tilespmem:s9+$0xFFFFFFF0]  }
0x159: {  	v13 =	vld [tilespmem:s15+$0xFFFFFFC0];
	[tilespmem:s9+$0xFFFFCDA0] =	vst v22;
	v24 =	vsub.f32 v24, v16;
	v22 =	vmul.f32 v25, v2;
	v16 =	vmul.f32 v25, v0;
	s15 =	sadd.s32 $0x80, s15  }
0x15a: {  	v25 =	vmul.f32 v18, v6  }
0x15b: {  	[tilespmem:s9+$0xFFFFCDC0] =	vst v20;
	v19 =	vadd.f32 v23, v19;
	v54 =	vmul.f32 v18, v4  }
0x15c: {  	v0 =	vmul.f32 v17, v0;
	[tilespmem:s5+$0xFFFFFFA0] =	vst v24;
	v55 =	vsub.f32 v21, v25  }
0x15d: {  	v2 =	vmul.f32 v17, v2;
	[tilespmem:s5+$0xFFFFFFC0] =	vst v19;
	v15 =	vadd.f32 v54, v15  }
0x15e: {  	v59 =	vmul.f32 v12, v4;
	v0 =	vsub.f32 v22, v0;
	v60 =	vmul.f32 v14, v6;
	[tilespmem:s5+$0xFFFFCDD0] =	vst v55  }
0x15f: {  	v56 =	vadd.f32 v2, v16;
	v1 =	vmul.f32 v1, v13;
	[tilespmem:s5+$0xFFFFCDF0] =	vst v15  }
0x160: {  	v3 =	vmul.f32 v3, v13;
	[tilespmem:s5+$0xFFFFCDE0] =	vst v0;
	v0 =	vsub.f32 v59, v60  }
0x161: {  	v57 =	vmul.f32 v7, v13;
	[tilespmem:s5+$0xFFFFCE00] =	vst v56;
	v1 =	vsub.f32 v1, v8  }
0x162: {  	v58 =	vmul.f32 v10, v13;
	v3 =	vadd.f32 v3, v5;
	[tilespmem:s5+$0xFFFFFFD0] =	vst v0  }
0x163: {  	v61 =	vmul.f32 v12, v6;
	v62 =	vmul.f32 v14, v4;
	v2 =	vsub.f32 v57, v11;
	[tilespmem:s5+$0xFFFFCD90] =	vst v1  }
0x164: {  	v63 =	vadd.f32 v58, v9;
	[tilespmem:s5+$0xFFFFCDB0] =	vst v3  }
0x165: {  	[tilespmem:s5+$0xFFFFFF90] =	vst v2;
	v1 =	vadd.f32 v62, v61  }
0x166: {  	[tilespmem:s5+$0xFFFFFFB0] =	vst v63  }
0x167: {  	s3 =	sadd.s32 $0x2580, s3;
	[tilespmem:s5+$0xFFFFFFF0] =	vst v1  }
0x168: {  	[hbm4b:s3+s2] =	stream.linear.scatter [tilespmem:s14], [sflag:$0x8], $0x6400, $0x38;
	[tilespmem:$0x1C840] =	vst v63  }
0x169: {  	_ =	swait.ge [sflag:s26], $0x6400  }
0x16a: {  	[sflag:s26] =	ssyncset.done $0x0  }
0x16b: {  	[sflag:s26] =	ssyncadd.s32 $0xFFFF9C00  }
0x16c: {  	_ =	swait.ge [sflag:s28], $0x6400  }
0x16d: {  	[sflag:s28] =	ssyncset.done $0x0  }
0x16e: {  	s0 =	sadd.s32 $0x1, s0;
	[sflag:s28] =	ssyncadd.s32 $0xFFFF9C00  }
0x16f: {  	p0 =	sne.s32 s0, $0x10;
	_ =	swait.ge [sflag:s30], $0x6400  }
.Ltmp4:
0x170: {  	[sflag:s30] =	ssyncset.done $0x0;
	(pc) =	sbr.rel @p0 .LBB2_2-.Ltmp4, $4  }
0x171: {  	[sflag:s30] =	ssyncadd.s32 $0xFFFF9C00  }
0x172: {  	_ =	swait.ge [sflag:s31], $0x6400  }
0x173: {  	[sflag:s31] =	ssyncset.done $0x0  }
0x174: {  	[sflag:s31] =	ssyncadd.s32 $0xFFFF9C00  }
0x175: {  	s3 =	rddreg [dreg:$0x5]  }
0x176: {  	s0 =	rddreg [dreg:$0x4];
	s3 =	sadd.s32 $0x1, s3  }
0x177: {  	p0 =	sne.s32 s3, s0  }
.Ltmp5:
0x178: {  	_ = 	snop;
	(pc) =	sbr.rel @p0 .LBB2_1-.Ltmp5, $1  }
0x179: {  	_ =	sdelay $0x3  }
0x17a: {  	_ =	sfence.sel $0x180000  }
0x17b: {  	[bflag:$0x0] =	sbarrier.arrive $0xFFFF  }
0x17c: {  	_ =	strace $0x90000047  }
0x17d: {  	s0 =	stileid.u32;
	[bflag:$0x2] =	sbarrier.arrive $0xFFFF  }
0x17e: {  	p0 =	sne.s32 s0, $0x0;
	s0 =	rddreg [dreg:$0x2]  }
0x17f: {  	s0 =	sadd.s32 @!p0 $0x100000, s0  }
0x180: {  	[sflag:s0] =	ssyncadd.tile.s32 @!p0 $0x1;
	_ =	shalt  }
.Lfunc_end2:
_tile_overlayer_lowered:
.L_overlay_start_2:
0x181: {  	(tag) =	ssettag $0x2  }
0x182: {  	s0 =	rddreg [dreg:$0x0];
	s2 =	stileid.u32  }
0x183: {  	s1 =	rddreg [dreg:$0x1];
	p0 =	sne.s32 s2, $0x0  }
0x184: {  	s3 =	rddreg [dreg:$0x2];
	[bflag:$0x3] =	sbarrier.arrive $0xFFFF;
	s2 =	simm.s32 @!p0 $0x1C09  }
0x185: {  	[timem:s3], [sflag:s2] =	dma.local @!p0 [hbm:s0], s1  }
0x186: {  	s0 =	simm.s32 @!p0 $0x9  }
0x187: {  	_ =	swait.ge @!p0 [sflag:s0], s1  }
0x188: {  	s1 =	ssub.s32 @!p0 $0x0, s1;
	[sflag:s0] =	ssyncset.done @!p0 $0x0  }
0x189: {  	[sflag:s0] =	ssyncadd.s32 @!p0 s1  }
0x18a: {  	[bflag:$0x3] =	sbarrier.arrive $0xFFFF  }
0x18b: {  	_ =	shalt  }

// kernel: sparse-core-data-format-call.cloned.1.call-start
scs
called_computation_lowered:
.L_overlay_start_0:
0x0: {  	s2 =	sld [smem:$0x3FD9]  }
0x1: {  	s3 =	sld [smem:$0x3FFE];
	_ =	sdelay $0x1  }
0x2: {  	s1 =	srdreg.scid  }
0x3: {  	s0 =	sand.u32 $0x1, s1  }
0x4: {  	s18 =	sshll.u32 s0, $0xA;
	s2 =	sadd.s32 s3, s2  }
0x5: {  	s2 =	sadd.s32 s2, s18  }
0x6: {  	[smem:$0x3FC5] =	sst s2  }
0x7: {  	_ = 	snop  }
0x8: {  	s2 =	sld [smem:$0x3FD0];
	(tm) =	ssettm $0x1  }
0x9: {  	s19 =	sld [smem:$0x3FFB];
	_ =	sdelay $0x3  }
0xa: {  	_ =	strace s19  }
0xb: {  	s3 =	sld [smem:$0x3FFC];
	_ =	sdelay $0x3  }
0xc: {  	_ =	strace s3  }
0xd: {  	s3 =	sld [smem:$0x3FFD];
	_ =	sdelay $0x3  }
0xe: {  	_ =	strace s3  }
0xf: {  	_ =	strace $0x8FFFFFFF  }
0x10: {  	s20 =	sld [smem:$0x3FDB];
	_ =	sdelay $0x1  }
0x11: {  	s4 =	simm.s32 $_scs_section_size  }
0x12: {  	s5 =	simm.s32 $_size__tile_overlayer_lowered;
	s6 =	simm.s32 $_tile_overlayer_lowered  }
0x13: {  	s23 =	simm.s32 $0x1BFF;
	s22 =	sshll.u32 s6, $0x1;
	s3 =	sadd.s32 s4, s20  }
0x14: {  	s7 =	simm.s32 $0x0;
	s21 =	sshll.u32 s5, $0x1;
	s5 =	sadd.s32 s22, s3  }
0x15: {  	[timem:s7], [sflag:s23] =	dma.local [hbm:s5], s21  }
0x16: {  	_ =	swait.ge [sflag:s23], s21  }
0x17: {  	s4 =	ssub.s32 $0x0, s21;
	[sflag:s23] =	ssyncset.done $0x0  }
0x18: {  	[sflag:s23] =	ssyncadd.s32 s4;
	_ =	sdelay $0x1  }
0x19: {  	s24 =	simm.s32 $0x1B8B  }
0x1a: {  	_ =	swait.ge [sflag:s24], $0x1  }
0x1b: {  	[sflag:s24] =	ssyncset.done $0x0  }
0x1c: {  	s26 =	simm.s32 $0x1B8E;
	s25 =	sld [smem:$0x3FFE];
	[sflag:s24] =	ssyncadd.s32 $0xFFFFFFFF  }
0x1d: {  	s27 =	simm.s32 $execute0_lowered;
	[smem:$0x3FD2] =	sst s26  }
0x1e: {  	s5 =	sshll.u32 s27, $0x1;
	_ =	strace $0x80000049;
	[dreg:$0x1] =	wrdreg $0xFFFFFFFF  }
0x1f: {  	s28 =	simm.s32 $_size_execute0_lowered;
	s3 =	sadd.s32 s3, s5;
	[dreg:$0x0] =	wrdreg $0x0  }
0x20: {  	s5 =	sshll.u32 s28, $0x1;
	[dreg:$0x2] =	wrdreg s3  }
0x21: {  	[dreg:$0x3] =	wrdreg s5  }
0x22: {  	[dreg:$0x4] =	wrdreg $0xC0  }
0x23: {  	_ =	task [dreg:s7], $0x5FFFF  }
0x24: {  	[dreg:$0x1] =	wrdreg $0xFFFFFFFF  }
0x25: {  	[dreg:$0x0] =	wrdreg $0x60  }
0x26: {  	[dreg:$0x2] =	wrdreg s25  }
0x27: {  	[dreg:$0x3] =	wrdreg s2  }
0x28: {  	[dreg:$0x4] =	wrdreg $0x9  }
0x29: {  	_ =	task.clear_ibuf [dreg:s7], $0x5FFFF;
	_ =	strace $0x90000049  }
0x2a: {  	s29 =	simm.s32 $0x9;
	_ =	strace $0x8000004B  }
0x2b: {  	_ =	swait.ge [sflag:s29], $0x1  }
0x2c: {  	[sflag:s29] =	ssyncadd.s32 $0xFFFFFFFF  }
0x2d: {  	_ =	strace $0x9000004B  }
0x2e: {  	_ =	sfence  }
0x2f: {  	s30 =	sld [smem:$0x0];
	_ =	sdelay $0x2  }
0x30: {  	s31 =	sshll.u32 s1, $0xD;
	s1 =	sshrl.u32 s1, $0x2  }
0x31: {  	s3 =	sand.u32 $0x4000, s31;
	s1 =	sadd.s32 s1, s30  }
0x32: {  	s0 =	sor.u32 s3, s0;
	s1 =	sshll.u32 s1, $0x11  }
0x33: {  	s0 =	sor.u32 s1, s0  }
0x34: {  	s0 =	sadd.s32 $0x8F2B, s0  }
0x35: {  	[sflag:s0] =	ssyncadd.remote.s32 $0x1  }
0x36: {  	_ =	sfence.sel $0xFFFF  }
0x37: {  	[dreg:$0x0] =	wrdreg $0xFFFFFFFF;
	(pc) =	sbr.abs _section_cstart, $3  }
0x38: {  	[dreg:$0x1] =	wrdreg $0xFFFFFFFF  }
0x39: {  	_ =	task.clear_ibuf [dreg:s7], $0x2FFFF;
	_ =	strace $0x9FFFFFFF  }
0x3a: {  	(tm) =	ssettm $0x7FFFFFFF  }
0x3b: {  	_ =	shalt  }
tec
execute0_lowered:
.L_overlay_start_1:
0x0: {  	(tag) =	ssettag $0x1  }
0x1: {  	s0 =	srdreg.scid  }
0x2: {  	s1 =	sshll.u32 s0, $0x4  }
0x3: {  	s0 =	stileid.u32;
	s1 =	sand.u32 $0x10, s1  }
0x4: {  	s1 =	sor.u32 s0, s1  }
0x5: {  	s6 =	rddreg [dreg:$0x0];
	s4 =	simm.s32 $0x1;
	s2 =	sshll.u32 s1, $0x7  }
0x6: {  	s7 =	simm.s32 $0x2;
	s12 =	simm.s32 $0x0;
	s1 =	ssub.s32 $0x1000, s2  }
0x7: {  	s8 =	simm.s32 $0x8000;
	s13 =	simm.s32 $0x0;
	s3 =	sand.u32 $0xF80, s1  }
0x8: {  	s9 =	simm.s32 $0x0;
	s5 =	sshrl.u32 s1, $0xC;
	p0 =	sne.s32 s3, $0x0  }
.Ltmp0:
0x9: {  	s1 =	rddreg [dreg:$0x2];
	s4 =	simm.s32 @!p0 $0x0;
	(pc) =	sbr.rel .LBB1_1-.Ltmp0, $4  }
0xa: {  	s11 =	simm.s32 $0x0;
	s3 =	rddreg [dreg:$0x1];
	s5 =	sadd.s32 s4, s5  }
0xb: {  	_ =	strace $0x8000004A;
	s4 =	simm.s32 $0x1;
	s5 =	smul.u32 $0xC8, s5  }
0xc: {  	s6 =	sadd.s32 $0xC00, s6;
	s10 =	smov.u32 s2;
	[sflag:s4] =	ssyncpa.u1 $0x0  }
0xd: {  	p0 =	por $0x0, $0x0;
	[sflag:s7] =	ssyncpa.u1 $0x0;
	s7 =	sor.u32 $0x1, s5  }
.LBB1_4:
0xe: {  	s16 =	sshll.u32 s13, $0x3;
	s17 =	sand.u32 $0x78, s13  }
0xf: {  	s30 =	sand.u32 $0x7E00, s13;
	s12 =	sshll.u32 s12, $0xF;
	s16 =	sand.u32 $0xC00, s16  }
0x10: {  	[tilespmem:s15+$0x810 ss:$0x81] =	vst.msk $0xffff, v2;
	s31 =	sand.u32 $0x7, s13;
	s16 =	sor.u32 s17, s16;
	s17 =	sadd.s32 s3, s30  }
0x11: {  	[tilespmem:s15+$0x1020 ss:$0x81] =	vst.msk $0xffff, v0;
	s13 =	sshll.u32 s31, $0x12;
	s12 =	sadd.s32 s12, s17;
	s16 =	sshrl.u32 s16, $0x3  }
0x12: {  	[tilespmem:s15+$0x0 ss:$0x81] =	vst.msk $0xffff, v1;
	s13 =	sor.u32 $0x400, s13;
	s12 =	sadd.s32 s16, s12  }
0x13: {  	[hbm4b:s12+s13] =	stream.strided.scatter [tilespmem:s14], [sflag:$0x2], $0x2000, s8, s13, $0x20;
	[tilespmem:$0x8080] =	vst v63  }
.LBB1_5:
0x14: {  	s14 =	sadd.s32 $0x1, s9  }
0x15: {  	s12 =	sadd.s32 $0x1000, s10;
	s16 =	smov.u32 s10;
	p2 =	sgt.s32 s14, $0xC7  }
0x16: {  	s16 =	smov.u32 @p2 s12  }
0x17: {  	s14 =	simm.s32 @p2 $0x0;
	p2 =	sgt.s32 s16, $0xFFF  }
0x18: {  	s16 =	smov.u32 @p2 s2;
	p2 =	sne.s32 s11, s7  }
.Ltmp1:
0x19: {  	p1 =	slt.u32 s11, $0x2;
	(pc) =	sbr.rel @!p2 .LBB1_6-.Ltmp1, $4  }
0x1a: {  	s15 =	simm.s32 @!p1 $0x2  }
0x1b: {  	s13 =	smov.u32 s10;
	p0 =	por !p0, !p0;
	_ =	swait.ge @!p1 [sflag:s15], $0x2000  }
0x1c: {  	s12 =	smov.u32 s9;
	[sflag:s15] =	ssyncset.done @!p1 $0x0;
	s9 =	smov.u32 s14  }
0x1d: {  	s11 =	sadd.s32 $0x1, s11;
	[sflag:s15] =	ssyncadd.s32 @!p1 $0xFFFFE000;
	s10 =	smov.u32 s16  }
.LBB1_1:
0x1e: {  	p1 =	sge.u32 s11, s5  }
0x1f: {  	s14 =	sand.u32 @!p1 $0x1FFFFFF, s9  }
0x20: {  	s15 =	smulhi.u32 @!p1 $0x147AE15, s14;
	_ =	sdelay $0x1  }
0x21: {  	s15 =	smul.u32 @!p1 $0xC8, s15  }
0x22: {  	s16 =	sxor.u32 @!p1 $0xFFFFFFFF, s11;
	s17 =	smul.u32 @!p1 $0xC80, s10  }
0x23: {  	s31 =	sadd.s32 $0xFFFFFFFF, s11;
	s16 =	sshll.u32 @!p1 s16, $0xD;
	s14 =	ssub.s32 @!p1 s14, s15  }
0x24: {  	s15 =	sand.u32 @!p1 $0x2000, s16;
	s16 =	sadd.s32 @!p1 s6, s17;
	s14 =	sshll.u32 @!p1 s14, $0x4  }
0x25: {  	s17 =	simm.s32 @!p1 $0x6400;
	s14 =	sadd.s32 @!p1 s14, s16;
	s16 =	simm.s32 @!p1 $0x40  }
0x26: {  	[tilespmem:s15], [sflag:$0x1] =	stream.strided.gather @!p1 [hbm4b:s14+s16], $0x2000, s17, s16, $0x38;
	[tilespmem:$0x8080] =	vst v63  }
0x27: {  	p1 =	sge.u32 s31, s5  }
.Ltmp2:
0x28: {  	_ = 	snop;
	(pc) =	sbr.rel @p1 .LBB1_5-.Ltmp2, $1  }
0x29: {  	_ =	sdelay $0x3  }
0x2a: {  	s14 =	simm.s32 $0x1  }
0x2b: {  	_ =	swait.ge [sflag:s4], $0x2000;
	s14 =	simm.s32 @!p0 $0x0  }
0x2c: {  	[sflag:s4] =	ssyncset.done $0x0;
	s15 =	sshll.u32 s14, $0xD  }
0x2d: {  	[sflag:s4] =	ssyncadd.s32 $0xFFFFE000;
	s18 =	sor.u32 $0x20, s15  }
0x2e: {  	s14 =	smul.u32 $0x8100, s14;
	v3 =	vld [tilespmem:s18+$0x10]  }
0x2f: {  	s30 =	sand.u32 $0x1, s11;
	v2 =	vld [tilespmem:s18+$0xFFFFFFF0]  }
0x30: {  	s15 =	smul.u32 $0x8100, s30;
	s14 =	sshrl.u32 s14, $0x2;
	v0 =	vld [tilespmem:s18+$0x0]  }
0x31: {  	v1 =	vld [tilespmem:s18+$0xFFFFFFE0];
	s16 =	sor.u32 $0x4000, s14  }
0x32: {  	s31 =	sshrl.u32 s15, $0x2;
	s15 =	sadd.s32 $0x0, s16  }
0x33: {  	s17 =	simm.s32 $0x4;
	s18 =	sadd.s32 $0x40, s18;
	s14 =	sor.u32 $0x4000, s31;
	[tilespmem:s15+$0x1830 ss:$0x81] =	vst.msk $0xffff, v3  }
.LBB1_3:
0x34: {  	v3 =	vld [tilespmem:s18+$0x10];
	p1 =	sne.s32 s17, $0x1FC;
	[tilespmem:s15+$0x810 ss:$0x81] =	vst.msk $0xffff, v2;
	s19 =	smov.u32 s17;
	s17 =	sadd.s32 $0x4, s17  }
.Ltmp3:
0x35: {  	v2 =	vld [tilespmem:s18+$0xFFFFFFF0];
	[tilespmem:s15+$0x1020 ss:$0x81] =	vst.msk $0xffff, v0;
	(pc) =	sbr.rel @p1 .LBB1_3-.Ltmp3, $4  }
0x36: {  	v0 =	vld [tilespmem:s18+$0x0];
	[tilespmem:s15+$0x0 ss:$0x81] =	vst.msk $0xffff, v1  }
0x37: {  	s15 =	sshra.s32 s19, $0x2;
	v1 =	vld [tilespmem:s18+$0xFFFFFFE0]  }
0x38: {  	s15 =	sadd.s32 s15, s16  }
0x39: {  	s18 =	sadd.s32 $0x40, s18;
	[tilespmem:s15+$0x1830 ss:$0x81] =	vst.msk $0xffff, v3  }
.Ltmp4:
0x3a: {  	_ = 	snop;
	(pc) =	sbr.rel .LBB1_4-.Ltmp4, $1  }
0x3b: {  	_ =	sdelay $0x3  }
.LBB1_6:
0x3c: {  	_ =	sfence.sel $0x180000  }
0x3d: {  	s2 =	simm.s32 $0x1;
	[bflag:$0x0] =	sbarrier.arrive $0xFFFF  }
0x3e: {  	s31 =	simm.s32 $0x2;
	[sflag:s2] =	ssyncpa.u1 $0x1  }
0x3f: {  	[sflag:s31] =	ssyncpa.u1 $0x1  }
0x40: {  	p0 =	sne.s32 s0, $0x0;
	_ =	strace $0x9000004A  }
0x41: {  	s0 =	sadd.s32 @!p0 $0x100000, s1;
	[bflag:$0x2] =	sbarrier.arrive $0xFFFF  }
0x42: {  	[sflag:s0] =	ssyncadd.tile.s32 @!p0 $0x1;
	_ =	shalt  }
.Lfunc_end1:
_tile_overlayer_lowered:
.L_overlay_start_2:
0x43: {  	(tag) =	ssettag $0x2  }
0x44: {  	s0 =	rddreg [dreg:$0x0];
	s2 =	stileid.u32  }
0x45: {  	s1 =	rddreg [dreg:$0x1];
	p0 =	sne.s32 s2, $0x0  }
0x46: {  	s3 =	rddreg [dreg:$0x2];
	[bflag:$0x3] =	sbarrier.arrive $0xFFFF;
	s2 =	simm.s32 @!p0 $0x1C01  }
0x47: {  	[timem:s3], [sflag:s2] =	dma.local @!p0 [hbm:s0], s1  }
0x48: {  	s0 =	simm.s32 @!p0 $0x1  }
0x49: {  	_ =	swait.ge @!p0 [sflag:s0], s1  }
0x4a: {  	s1 =	ssub.s32 @!p0 $0x0, s1;
	[sflag:s0] =	ssyncset.done @!p0 $0x0  }
0x4b: {  	[sflag:s0] =	ssyncadd.s32 @!p0 s1  }
0x4c: {  	[bflag:$0x3] =	sbarrier.arrive $0xFFFF  }
0x4d: {  	_ =	shalt  }

</sc_bundles>
